<compile_context>
chip_gen: v7x
topology: tpu7x:2x2x1
jax: 0.10.2.dev20260603
libtpu: 0.0.44.dev20260713+nightly
codegen_flags: <defaults>
</compile_context>

<pallas_src>
import jax
import jax.numpy as jnp
from jax import lax
from jax.experimental import pallas as pl
from jax.experimental.pallas import tpu as pltpu
from jax.experimental.pallas import tpu_sc as plsc

BATCH = 4096
SEQ = 200
EMBED = 32
N_FIELDS = 69
NF_PAD = 80
MAXSEQLEN = 200
N_COMB = 13824

N_TOTAL = BATCH * SEQ
IDX_W = 128
N_IDX_ROWS = N_TOTAL // IDX_W
NW = 32
ROWS_PER_W = N_IDX_ROWS // NW
CHUNK_IR = 4
CHUNK = CHUNK_IR * IDX_W
N_CHUNKS = ROWS_PER_W // CHUNK_IR


def _sc_body(x_hbm, xc_hbm, tok_hbm, fld_hbm, pos_hbm, out_hbm,
             fld_v, pos_v, comb_stage, comb_sp,
             idx_t0, idx_t1, idx_c0, idx_c1,
             tok_v0, tok_v1, fp_v_s, out_v0, out_v1,
             gsem0, gsem1, ssem0, ssem1):
    c = lax.axis_index("c")
    s = lax.axis_index("s")
    wid = s * 2 + c
    ir_base = wid * ROWS_PER_W

    idx_t = (idx_t0, idx_t1)
    idx_c = (idx_c0, idx_c1)
    tok_v = (tok_v0, tok_v1)
    fp_v = (fp_v_s, fp_v_s)
    out_v = (out_v0, out_v1)
    gsem = (gsem0, gsem1)
    ssem = (ssem0, ssem1)

    pltpu.sync_copy(fld_hbm, fld_v.at[pl.ds(0, N_FIELDS)])
    pltpu.sync_copy(pos_hbm, pos_v)
    for k in range(NF_PAD // 16):
        f = s + k * 16
        t0 = fld_v[f, pl.ds(0, 16)]
        t1 = fld_v[f, pl.ds(16, 16)]

        @plsc.parallel_loop(0, MAXSEQLEN)
        def build_body(p, t0=t0, t1=t1):
            comb_stage[p, pl.ds(0, 16)] = t0 + pos_v[p, pl.ds(0, 16)]
            comb_stage[p, pl.ds(16, 16)] = t1 + pos_v[p, pl.ds(16, 16)]

        pltpu.sync_copy(comb_stage, comb_sp.at[pl.ds(f * MAXSEQLEN, MAXSEQLEN)])

    plsc.subcore_barrier()

    def fire(g, b):
        ir0 = ir_base + g * CHUNK_IR
        pltpu.sync_copy(x_hbm.at[pl.ds(ir0, CHUNK_IR)], idx_t[b])
        pltpu.sync_copy(xc_hbm.at[pl.ds(ir0, CHUNK_IR)], idx_c[b])
        for j in range(CHUNK_IR):
            dst = pl.ds(j * IDX_W, IDX_W)
            pltpu.async_copy(tok_hbm.at[idx_t[b].at[j]], tok_v[b].at[dst], gsem[b])

    def wait_gathers(b):
        for j in range(CHUNK_IR):
            dst = pl.ds(j * IDX_W, IDX_W)
            pltpu.sync_copy(comb_sp.at[idx_c[b].at[j]], fp_v[b].at[dst])
        for j in range(CHUNK_IR):
            dst = pl.ds(j * IDX_W, IDX_W)
            pltpu.make_async_copy(tok_hbm.at[idx_t[b].at[j]], tok_v[b].at[dst], gsem[b]).wait()

    def wait_scatter(b):
        pltpu.make_async_copy(out_v[b], out_hbm.at[pl.ds(0, CHUNK // 4)], ssem[b]).wait()

    def compute(b):
        tv, fv, ov = tok_v[b], fp_v[b], out_v[b]

        @plsc.parallel_loop(0, CHUNK, unroll=4)
        def body(r):
            r4 = r // 4
            off = (r % 4) * 32
            for h in range(2):
                sl = pl.ds(h * 16, 16)
                ov[r4, pl.ds(off + h * 16, 16)] = tv[r, sl] + fv[r, sl]

    def scatter(g, b):
        row0 = (ir_base + g * CHUNK_IR) * IDX_W // 4
        pltpu.async_copy(out_v[b], out_hbm.at[pl.ds(row0, CHUNK // 4)], ssem[b])

    fire(0, 0)

    def pair_body(gp, carry):
        g0 = gp * 2
        @pl.when(gp > 0)
        def _():
            wait_scatter(1)
        fire(g0 + 1, 1)
        wait_gathers(0)
        compute(0)
        scatter(g0, 0)
        @pl.when(gp < N_CHUNKS // 2 - 1)
        def _():
            wait_scatter(0)
            fire(g0 + 2, 0)
        wait_gathers(1)
        compute(1)
        scatter(g0 + 1, 1)
        return carry

    lax.fori_loop(0, N_CHUNKS // 2, pair_body, 0)
    wait_scatter(0)
    wait_scatter(1)


@jax.jit
def _run(x2d, xc2d, token_table, field_table, pos_table):
    mesh = plsc.VectorSubcoreMesh(core_axis_name="c", subcore_axis_name="s")
    f = pl.kernel(
        _sc_body,
        mesh=mesh,
        compiler_params=pltpu.CompilerParams(use_tc_tiling_on_sc=False),
        out_type=jax.ShapeDtypeStruct((N_TOTAL // 4, IDX_W), jnp.float32),
        scratch_types=[
            pltpu.VMEM((NF_PAD, EMBED), jnp.float32),
            pltpu.VMEM((MAXSEQLEN, EMBED), jnp.float32),
            pltpu.VMEM((MAXSEQLEN, EMBED), jnp.float32),
            pltpu.VMEM_SHARED((N_COMB, EMBED), jnp.float32),
            pltpu.VMEM((CHUNK_IR, IDX_W), jnp.int32),
            pltpu.VMEM((CHUNK_IR, IDX_W), jnp.int32),
            pltpu.VMEM((CHUNK_IR, IDX_W), jnp.int32),
            pltpu.VMEM((CHUNK_IR, IDX_W), jnp.int32),
            pltpu.VMEM((CHUNK, EMBED), jnp.float32),
            pltpu.VMEM((CHUNK, EMBED), jnp.float32),
            pltpu.VMEM((CHUNK, EMBED), jnp.float32),
            pltpu.VMEM((CHUNK // 4, IDX_W), jnp.float32),
            pltpu.VMEM((CHUNK // 4, IDX_W), jnp.float32),
            pltpu.SemaphoreType.DMA,
            pltpu.SemaphoreType.DMA,
            pltpu.SemaphoreType.DMA,
            pltpu.SemaphoreType.DMA,
        ],
    )
    return f(x2d, xc2d, token_table, field_table, pos_table)


def kernel(x, x_fields, x_positions, token_table, field_table, pos_table):
    x2d = x.reshape(N_IDX_ROWS, IDX_W).astype(jnp.int32)
    xc2d = (x_fields.astype(jnp.int32) * MAXSEQLEN
            + x_positions.astype(jnp.int32)).reshape(N_IDX_ROWS, IDX_W)
    out = _run(x2d, xc2d, token_table, field_table, pos_table)
    return out.reshape(BATCH, SEQ, EMBED)

# --- scband reference (transcript-rebuilt; emitter-appended) ---
"""Pipeline reference for scband-token-field-and-position-embedding-85916525789654 (READ-ONLY COPY).

The authoritative reference and input builder live on the scoring server;
editing this copy changes nothing except your own understanding.
"""

import jax, jax.numpy as jnp
import numpy as np

BATCH = 4096
SEQ = 200
VOCAB = 1000000
EMBED = 32
N_FIELDS = 69
MAXSEQLEN = 200


def setup_inputs(seed: int = 0) -> dict:
    key = jax.random.key(seed)
    k1, k2, k3, k4, k5, k6 = jax.random.split(key, 6)
    x = jax.random.randint(k1, (BATCH, SEQ), 0, VOCAB, dtype=jnp.int64 if jax.config.jax_enable_x64 else jnp.int32)
    x_fields = jax.random.randint(k2, (BATCH, SEQ), 0, N_FIELDS, dtype=x.dtype)
    x_positions = jax.random.randint(k3, (BATCH, SEQ), 0, MAXSEQLEN, dtype=x.dtype)
    token_table = jax.random.normal(k4, (VOCAB, EMBED), dtype=jnp.float32) * 0.05
    field_table = jax.random.normal(k5, (N_FIELDS, EMBED), dtype=jnp.float32) * 0.05
    pos_table = jax.random.normal(k6, (MAXSEQLEN, EMBED), dtype=jnp.float32) * 0.05
    return {
        "x": x,
        "x_fields": x_fields,
        "x_positions": x_positions,
        "token_table": token_table,
        "field_table": field_table,
        "pos_table": pos_table,
    }


def reference(x, x_fields, x_positions, token_table, field_table, pos_table):
    # token embedding lookup (mask_zero affects masking metadata only, not values)
    tok = jnp.take(token_table, x, axis=0)
    fields = jnp.take(field_table, x_fields, axis=0)
    positions = jnp.take(pos_table, x_positions, axis=0)
    return tok + fields + positions

if __name__ == "__main__":
    import jax
    _d = setup_inputs()
    print(jax.jit(kernel)(*tuple(_d.values())))

</pallas_src>

<mosaic_0001>
#map = affine_map<(d0, d1) -> (0, 0)>
module attributes {stable_mosaic.version = 14 : i64} {
  func.func @_sc_body(%arg0: i32, %arg1: i32, %arg2: memref<6400x128xi32, #tpu.memory_space<hbm>>, %arg3: memref<6400x128xi32, #tpu.memory_space<hbm>>, %arg4: memref<1000000x32xf32, #tpu.memory_space<hbm>>, %arg5: memref<69x32xf32, #tpu.memory_space<hbm>>, %arg6: memref<200x32xf32, #tpu.memory_space<hbm>>, %arg7: memref<204800x128xf32, #tpu.memory_space<hbm>>, %arg8: memref<80x32xf32, #tpu.memory_space<vmem>>, %arg9: memref<200x32xf32, #tpu.memory_space<vmem>>, %arg10: memref<200x32xf32, #tpu.memory_space<vmem>>, %arg11: memref<13824x32xf32, #tpu.memory_space<vmem_shared>>, %arg12: memref<4x128xi32, #tpu.memory_space<vmem>>, %arg13: memref<4x128xi32, #tpu.memory_space<vmem>>, %arg14: memref<4x128xi32, #tpu.memory_space<vmem>>, %arg15: memref<4x128xi32, #tpu.memory_space<vmem>>, %arg16: memref<512x32xf32, #tpu.memory_space<vmem>>, %arg17: memref<512x32xf32, #tpu.memory_space<vmem>>, %arg18: memref<512x32xf32, #tpu.memory_space<vmem>>, %arg19: memref<128x128xf32, #tpu.memory_space<vmem>>, %arg20: memref<128x128xf32, #tpu.memory_space<vmem>>, %arg21: memref<!tpu.dma_semaphore, #tpu.memory_space<semaphore_mem>>, %arg22: memref<!tpu.dma_semaphore, #tpu.memory_space<semaphore_mem>>, %arg23: memref<!tpu.dma_semaphore, #tpu.memory_space<semaphore_mem>>, %arg24: memref<!tpu.dma_semaphore, #tpu.memory_space<semaphore_mem>>) attributes {dimension_semantics = [#tpu.dimension_semantics<core_parallel>, #tpu.dimension_semantics<subcore_parallel>], iteration_bounds = array<i64: 2, 16>, scalar_prefetch = 0 : i64, scratch_operands = 17 : i64, tpu.core_type = #tpu.core_type<sc_vector_subcore>, window_params = [{transform_indices = #map}, {transform_indices = #map}, {transform_indices = #map}, {transform_indices = #map}, {transform_indices = #map}, {transform_indices = #map}]} {
    %mul3A = arith.constant 2 : i32
    %mul3A_0 = arith.muli %arg1, %mul3A : i32
    %add3A = arith.addi %mul3A_0, %arg0 : i32
    %mul3A_1 = arith.constant 200 : i32
    %mul3A_2 = arith.muli %add3A, %mul3A_1 : i32
    "tpu.region"() ({
      %run_scoped3A = tpu.sem_alloc : memref<!tpu.dma_semaphore, #tpu.memory_space<semaphore_mem>>
      %dma_start3A_133 = arith.constant 0 : i32
      %dma_start3A_134 = arith.constant 0 : i32
      %dma_start3A_135 = tpu.memref_slice %arg8[%dma_start3A_133, %dma_start3A_134] : memref<80x32xf32, #tpu.memory_space<vmem>> -> memref<69x32xf32, #tpu.memory_space<vmem>>
      %dma_start3A_136 = arith.constant 0 : i32
      %dma_start3A_137 = arith.constant 0 : i32
      %dma_start3A_138 = tpu.memref_slice %arg8[%dma_start3A_136, %dma_start3A_137] : memref<80x32xf32, #tpu.memory_space<vmem>> -> memref<69x32xf32, #tpu.memory_space<vmem>>
      tpu.enqueue_dma source(%arg5 : memref<69x32xf32, #tpu.memory_space<hbm>>) target(%dma_start3A_138 : memref<69x32xf32, #tpu.memory_space<vmem>>) target_semaphore(%run_scoped3A : memref<!tpu.dma_semaphore, #tpu.memory_space<semaphore_mem>>)
      %dma_wait3A_139 = arith.constant 0 : i32
      %dma_wait3A_140 = arith.constant 0 : i32
      %dma_wait3A_141 = tpu.memref_slice %arg8[%dma_wait3A_139, %dma_wait3A_140] : memref<80x32xf32, #tpu.memory_space<vmem>> -> memref<69x32xf32, #tpu.memory_space<vmem>>
      %dma_wait3A_142 = arith.constant 0 : i32
      %dma_wait3A_143 = arith.constant 0 : i32
      %dma_wait3A_144 = tpu.memref_slice %arg8[%dma_wait3A_142, %dma_wait3A_143] : memref<80x32xf32, #tpu.memory_space<vmem>> -> memref<69x32xf32, #tpu.memory_space<vmem>>
      tpu.wait_dma2 semaphore(%run_scoped3A : memref<!tpu.dma_semaphore, #tpu.memory_space<semaphore_mem>>) src(%arg5 : memref<69x32xf32, #tpu.memory_space<hbm>>) dst(%dma_wait3A_144 : memref<69x32xf32, #tpu.memory_space<vmem>>)
      tpu.yield
    }) : () -> ()
    "tpu.region"() ({
      %run_scoped3A = tpu.sem_alloc : memref<!tpu.dma_semaphore, #tpu.memory_space<semaphore_mem>>
      tpu.enqueue_dma source(%arg6 : memref<200x32xf32, #tpu.memory_space<hbm>>) target(%arg9 : memref<200x32xf32, #tpu.memory_space<vmem>>) target_semaphore(%run_scoped3A : memref<!tpu.dma_semaphore, #tpu.memory_space<semaphore_mem>>)
      tpu.wait_dma2 semaphore(%run_scoped3A : memref<!tpu.dma_semaphore, #tpu.memory_space<semaphore_mem>>) src(%arg6 : memref<200x32xf32, #tpu.memory_space<hbm>>) dst(%arg9 : memref<200x32xf32, #tpu.memory_space<vmem>>)
      tpu.yield
    }) : () -> ()
    %add3A_3 = arith.constant 0 : i32
    %add3A_4 = arith.addi %arg1, %add3A_3 : i32
    %get3A = arith.index_cast %add3A_4 : i32 to index
    %get3A_5 = arith.constant 0 : index
    %get3A_6 = tpu.vector_load %arg8[%get3A, %get3A_5] {strides = array<i32>} : memref<80x32xf32, #tpu.memory_space<vmem>>, vector<1x16xf32>,
    %get3A_7 = vector.shape_cast %get3A_6 : vector<1x16xf32> to vector<16xf32>
    %get3A_8 = arith.index_cast %add3A_4 : i32 to index
    %get3A_9 = arith.constant 16 : index
    %get3A_10 = tpu.vector_load %arg8[%get3A_8, %get3A_9] {strides = array<i32>} : memref<80x32xf32, #tpu.memory_space<vmem>>, vector<1x16xf32>,
    %get3A_11 = vector.shape_cast %get3A_10 : vector<1x16xf32> to vector<16xf32>
    %parallel_loop3A = arith.constant 0 : i32
    %parallel_loop3A_12 = arith.constant 200 : i32
    %parallel_loop3A_13 = arith.constant 1 : i32
    scf.for %parallel_loop3A_133 = %parallel_loop3A to %parallel_loop3A_12 step %parallel_loop3A_13  : i32 {
      %parallel_loop3A_134 = arith.index_cast %parallel_loop3A_133 : i32 to index
      %parallel_loop3A_135 = arith.constant 0 : index
      %parallel_loop3A_136 = tpu.vector_load %arg9[%parallel_loop3A_134, %parallel_loop3A_135] {strides = array<i32>} : memref<200x32xf32, #tpu.memory_space<vmem>>, vector<1x16xf32>,
      %parallel_loop3A_137 = vector.shape_cast %parallel_loop3A_136 : vector<1x16xf32> to vector<16xf32>
      %parallel_loop3A_138 = arith.addf %get3A_7, %parallel_loop3A_137 : vector<16xf32>
      %parallel_loop3A_139 = arith.index_cast %parallel_loop3A_133 : i32 to index
      %parallel_loop3A_140 = arith.constant 0 : index
      %parallel_loop3A_141 = tpu.vector_load %arg10[%parallel_loop3A_139, %parallel_loop3A_140] {strides = array<i32>} : memref<200x32xf32, #tpu.memory_space<vmem>>, vector<1x16xf32>,
      %parallel_loop3A_142 = vector.shape_cast %parallel_loop3A_141 : vector<1x16xf32> to vector<16xf32>
      %parallel_loop3A_143 = vector.shape_cast %parallel_loop3A_138 : vector<16xf32> to vector<1x16xf32>
      tpu.vector_store %arg10[%parallel_loop3A_139, %parallel_loop3A_140], %parallel_loop3A_143 {strides = array<i32>} : memref<200x32xf32, #tpu.memory_space<vmem>>, vector<1x16xf32>,
      %parallel_loop3A_144 = arith.index_cast %parallel_loop3A_133 : i32 to index
      %parallel_loop3A_145 = arith.constant 16 : index
      %parallel_loop3A_146 = tpu.vector_load %arg9[%parallel_loop3A_144, %parallel_loop3A_145] {strides = array<i32>} : memref<200x32xf32, #tpu.memory_space<vmem>>, vector<1x16xf32>,
      %parallel_loop3A_147 = vector.shape_cast %parallel_loop3A_146 : vector<1x16xf32> to vector<16xf32>
      %parallel_loop3A_148 = arith.addf %get3A_11, %parallel_loop3A_147 : vector<16xf32>
      %parallel_loop3A_149 = arith.index_cast %parallel_loop3A_133 : i32 to index
      %parallel_loop3A_150 = arith.constant 16 : index
      %parallel_loop3A_151 = tpu.vector_load %arg10[%parallel_loop3A_149, %parallel_loop3A_150] {strides = array<i32>} : memref<200x32xf32, #tpu.memory_space<vmem>>, vector<1x16xf32>,
      %parallel_loop3A_152 = vector.shape_cast %parallel_loop3A_151 : vector<1x16xf32> to vector<16xf32>
      %parallel_loop3A_153 = vector.shape_cast %parallel_loop3A_148 : vector<16xf32> to vector<1x16xf32>
      tpu.vector_store %arg10[%parallel_loop3A_149, %parallel_loop3A_150], %parallel_loop3A_153 {strides = array<i32>} : memref<200x32xf32, #tpu.memory_space<vmem>>, vector<1x16xf32>,
    } {sc.loop_unroll_factor = 1 : i64, sc.parallel_access}
    %mul3A_14 = arith.constant 200 : i32
    %mul3A_15 = arith.muli %add3A_4, %mul3A_14 : i32
    "tpu.region"() ({
      %run_scoped3A = tpu.sem_alloc : memref<!tpu.dma_semaphore, #tpu.memory_space<semaphore_mem>>
      %dma_start3A_133 = arith.constant 0 : i32
      %dma_start3A_134 = tpu.memref_slice %arg11[%mul3A_15, %dma_start3A_133] : memref<13824x32xf32, #tpu.memory_space<vmem_shared>> -> memref<200x32xf32, #tpu.memory_space<vmem_shared>>
      %dma_start3A_135 = arith.constant 0 : i32
      %dma_start3A_136 = tpu.memref_slice %arg11[%mul3A_15, %dma_start3A_135] : memref<13824x32xf32, #tpu.memory_space<vmem_shared>> -> memref<200x32xf32, #tpu.memory_space<vmem_shared>>
      tpu.enqueue_dma source(%arg10 : memref<200x32xf32, #tpu.memory_space<vmem>>) target(%dma_start3A_136 : memref<200x32xf32, #tpu.memory_space<vmem_shared>>) target_semaphore(%run_scoped3A : memref<!tpu.dma_semaphore, #tpu.memory_space<semaphore_mem>>)
      %dma_wait3A_137 = arith.constant 0 : i32
      %dma_wait3A_138 = tpu.memref_slice %arg11[%mul3A_15, %dma_wait3A_137] : memref<13824x32xf32, #tpu.memory_space<vmem_shared>> -> memref<200x32xf32, #tpu.memory_space<vmem_shared>>
      %dma_wait3A_139 = arith.constant 0 : i32
      %dma_wait3A_140 = tpu.memref_slice %arg11[%mul3A_15, %dma_wait3A_139] : memref<13824x32xf32, #tpu.memory_space<vmem_shared>> -> memref<200x32xf32, #tpu.memory_space<vmem_shared>>
      tpu.wait_dma2 semaphore(%run_scoped3A : memref<!tpu.dma_semaphore, #tpu.memory_space<semaphore_mem>>) src(%arg10 : memref<200x32xf32, #tpu.memory_space<vmem>>) dst(%dma_wait3A_140 : memref<200x32xf32, #tpu.memory_space<vmem_shared>>)
      tpu.yield
    }) : () -> ()
    %add3A_16 = arith.constant 16 : i32
    %add3A_17 = arith.addi %arg1, %add3A_16 : i32
    %get3A_18 = arith.index_cast %add3A_17 : i32 to index
    %get3A_19 = arith.constant 0 : index
    %get3A_20 = tpu.vector_load %arg8[%get3A_18, %get3A_19] {strides = array<i32>} : memref<80x32xf32, #tpu.memory_space<vmem>>, vector<1x16xf32>,
    %get3A_21 = vector.shape_cast %get3A_20 : vector<1x16xf32> to vector<16xf32>
    %get3A_22 = arith.index_cast %add3A_17 : i32 to index
    %get3A_23 = arith.constant 16 : index
    %get3A_24 = tpu.vector_load %arg8[%get3A_22, %get3A_23] {strides = array<i32>} : memref<80x32xf32, #tpu.memory_space<vmem>>, vector<1x16xf32>,
    %get3A_25 = vector.shape_cast %get3A_24 : vector<1x16xf32> to vector<16xf32>
    %parallel_loop3A_26 = arith.constant 0 : i32
    %parallel_loop3A_27 = arith.constant 200 : i32
    %parallel_loop3A_28 = arith.constant 1 : i32
    scf.for %parallel_loop3A_133 = %parallel_loop3A_26 to %parallel_loop3A_27 step %parallel_loop3A_28  : i32 {
      %parallel_loop3A_134 = arith.index_cast %parallel_loop3A_133 : i32 to index
      %parallel_loop3A_135 = arith.constant 0 : index
      %parallel_loop3A_136 = tpu.vector_load %arg9[%parallel_loop3A_134, %parallel_loop3A_135] {strides = array<i32>} : memref<200x32xf32, #tpu.memory_space<vmem>>, vector<1x16xf32>,
      %parallel_loop3A_137 = vector.shape_cast %parallel_loop3A_136 : vector<1x16xf32> to vector<16xf32>
      %parallel_loop3A_138 = arith.addf %get3A_21, %parallel_loop3A_137 : vector<16xf32>
      %parallel_loop3A_139 = arith.index_cast %parallel_loop3A_133 : i32 to index
      %parallel_loop3A_140 = arith.constant 0 : index
      %parallel_loop3A_141 = tpu.vector_load %arg10[%parallel_loop3A_139, %parallel_loop3A_140] {strides = array<i32>} : memref<200x32xf32, #tpu.memory_space<vmem>>, vector<1x16xf32>,
      %parallel_loop3A_142 = vector.shape_cast %parallel_loop3A_141 : vector<1x16xf32> to vector<16xf32>
      %parallel_loop3A_143 = vector.shape_cast %parallel_loop3A_138 : vector<16xf32> to vector<1x16xf32>
      tpu.vector_store %arg10[%parallel_loop3A_139, %parallel_loop3A_140], %parallel_loop3A_143 {strides = array<i32>} : memref<200x32xf32, #tpu.memory_space<vmem>>, vector<1x16xf32>,
      %parallel_loop3A_144 = arith.index_cast %parallel_loop3A_133 : i32 to index
      %parallel_loop3A_145 = arith.constant 16 : index
      %parallel_loop3A_146 = tpu.vector_load %arg9[%parallel_loop3A_144, %parallel_loop3A_145] {strides = array<i32>} : memref<200x32xf32, #tpu.memory_space<vmem>>, vector<1x16xf32>,
      %parallel_loop3A_147 = vector.shape_cast %parallel_loop3A_146 : vector<1x16xf32> to vector<16xf32>
      %parallel_loop3A_148 = arith.addf %get3A_25, %parallel_loop3A_147 : vector<16xf32>
      %parallel_loop3A_149 = arith.index_cast %parallel_loop3A_133 : i32 to index
      %parallel_loop3A_150 = arith.constant 16 : index
      %parallel_loop3A_151 = tpu.vector_load %arg10[%parallel_loop3A_149, %parallel_loop3A_150] {strides = array<i32>} : memref<200x32xf32, #tpu.memory_space<vmem>>, vector<1x16xf32>,
      %parallel_loop3A_152 = vector.shape_cast %parallel_loop3A_151 : vector<1x16xf32> to vector<16xf32>
      %parallel_loop3A_153 = vector.shape_cast %parallel_loop3A_148 : vector<16xf32> to vector<1x16xf32>
      tpu.vector_store %arg10[%parallel_loop3A_149, %parallel_loop3A_150], %parallel_loop3A_153 {strides = array<i32>} : memref<200x32xf32, #tpu.memory_space<vmem>>, vector<1x16xf32>,
    } {sc.loop_unroll_factor = 1 : i64, sc.parallel_access}
    %mul3A_29 = arith.constant 200 : i32
    %mul3A_30 = arith.muli %add3A_17, %mul3A_29 : i32
    "tpu.region"() ({
      %run_scoped3A = tpu.sem_alloc : memref<!tpu.dma_semaphore, #tpu.memory_space<semaphore_mem>>
      %dma_start3A_133 = arith.constant 0 : i32
      %dma_start3A_134 = tpu.memref_slice %arg11[%mul3A_30, %dma_start3A_133] : memref<13824x32xf32, #tpu.memory_space<vmem_shared>> -> memref<200x32xf32, #tpu.memory_space<vmem_shared>>
      %dma_start3A_135 = arith.constant 0 : i32
      %dma_start3A_136 = tpu.memref_slice %arg11[%mul3A_30, %dma_start3A_135] : memref<13824x32xf32, #tpu.memory_space<vmem_shared>> -> memref<200x32xf32, #tpu.memory_space<vmem_shared>>
      tpu.enqueue_dma source(%arg10 : memref<200x32xf32, #tpu.memory_space<vmem>>) target(%dma_start3A_136 : memref<200x32xf32, #tpu.memory_space<vmem_shared>>) target_semaphore(%run_scoped3A : memref<!tpu.dma_semaphore, #tpu.memory_space<semaphore_mem>>)
      %dma_wait3A_137 = arith.constant 0 : i32
      %dma_wait3A_138 = tpu.memref_slice %arg11[%mul3A_30, %dma_wait3A_137] : memref<13824x32xf32, #tpu.memory_space<vmem_shared>> -> memref<200x32xf32, #tpu.memory_space<vmem_shared>>
      %dma_wait3A_139 = arith.constant 0 : i32
      %dma_wait3A_140 = tpu.memref_slice %arg11[%mul3A_30, %dma_wait3A_139] : memref<13824x32xf32, #tpu.memory_space<vmem_shared>> -> memref<200x32xf32, #tpu.memory_space<vmem_shared>>
      tpu.wait_dma2 semaphore(%run_scoped3A : memref<!tpu.dma_semaphore, #tpu.memory_space<semaphore_mem>>) src(%arg10 : memref<200x32xf32, #tpu.memory_space<vmem>>) dst(%dma_wait3A_140 : memref<200x32xf32, #tpu.memory_space<vmem_shared>>)
      tpu.yield
    }) : () -> ()
    %add3A_31 = arith.constant 32 : i32
    %add3A_32 = arith.addi %arg1, %add3A_31 : i32
    %get3A_33 = arith.index_cast %add3A_32 : i32 to index
    %get3A_34 = arith.constant 0 : index
    %get3A_35 = tpu.vector_load %arg8[%get3A_33, %get3A_34] {strides = array<i32>} : memref<80x32xf32, #tpu.memory_space<vmem>>, vector<1x16xf32>,
    %get3A_36 = vector.shape_cast %get3A_35 : vector<1x16xf32> to vector<16xf32>
    %get3A_37 = arith.index_cast %add3A_32 : i32 to index
    %get3A_38 = arith.constant 16 : index
    %get3A_39 = tpu.vector_load %arg8[%get3A_37, %get3A_38] {strides = array<i32>} : memref<80x32xf32, #tpu.memory_space<vmem>>, vector<1x16xf32>,
    %get3A_40 = vector.shape_cast %get3A_39 : vector<1x16xf32> to vector<16xf32>
    %parallel_loop3A_41 = arith.constant 0 : i32
    %parallel_loop3A_42 = arith.constant 200 : i32
    %parallel_loop3A_43 = arith.constant 1 : i32
    scf.for %parallel_loop3A_133 = %parallel_loop3A_41 to %parallel_loop3A_42 step %parallel_loop3A_43  : i32 {
      %parallel_loop3A_134 = arith.index_cast %parallel_loop3A_133 : i32 to index
      %parallel_loop3A_135 = arith.constant 0 : index
      %parallel_loop3A_136 = tpu.vector_load %arg9[%parallel_loop3A_134, %parallel_loop3A_135] {strides = array<i32>} : memref<200x32xf32, #tpu.memory_space<vmem>>, vector<1x16xf32>,
      %parallel_loop3A_137 = vector.shape_cast %parallel_loop3A_136 : vector<1x16xf32> to vector<16xf32>
      %parallel_loop3A_138 = arith.addf %get3A_36, %parallel_loop3A_137 : vector<16xf32>
      %parallel_loop3A_139 = arith.index_cast %parallel_loop3A_133 : i32 to index
      %parallel_loop3A_140 = arith.constant 0 : index
      %parallel_loop3A_141 = tpu.vector_load %arg10[%parallel_loop3A_139, %parallel_loop3A_140] {strides = array<i32>} : memref<200x32xf32, #tpu.memory_space<vmem>>, vector<1x16xf32>,
      %parallel_loop3A_142 = vector.shape_cast %parallel_loop3A_141 : vector<1x16xf32> to vector<16xf32>
      %parallel_loop3A_143 = vector.shape_cast %parallel_loop3A_138 : vector<16xf32> to vector<1x16xf32>
      tpu.vector_store %arg10[%parallel_loop3A_139, %parallel_loop3A_140], %parallel_loop3A_143 {strides = array<i32>} : memref<200x32xf32, #tpu.memory_space<vmem>>, vector<1x16xf32>,
      %parallel_loop3A_144 = arith.index_cast %parallel_loop3A_133 : i32 to index
      %parallel_loop3A_145 = arith.constant 16 : index
      %parallel_loop3A_146 = tpu.vector_load %arg9[%parallel_loop3A_144, %parallel_loop3A_145] {strides = array<i32>} : memref<200x32xf32, #tpu.memory_space<vmem>>, vector<1x16xf32>,
      %parallel_loop3A_147 = vector.shape_cast %parallel_loop3A_146 : vector<1x16xf32> to vector<16xf32>
      %parallel_loop3A_148 = arith.addf %get3A_40, %parallel_loop3A_147 : vector<16xf32>
      %parallel_loop3A_149 = arith.index_cast %parallel_loop3A_133 : i32 to index
      %parallel_loop3A_150 = arith.constant 16 : index
      %parallel_loop3A_151 = tpu.vector_load %arg10[%parallel_loop3A_149, %parallel_loop3A_150] {strides = array<i32>} : memref<200x32xf32, #tpu.memory_space<vmem>>, vector<1x16xf32>,
      %parallel_loop3A_152 = vector.shape_cast %parallel_loop3A_151 : vector<1x16xf32> to vector<16xf32>
      %parallel_loop3A_153 = vector.shape_cast %parallel_loop3A_148 : vector<16xf32> to vector<1x16xf32>
      tpu.vector_store %arg10[%parallel_loop3A_149, %parallel_loop3A_150], %parallel_loop3A_153 {strides = array<i32>} : memref<200x32xf32, #tpu.memory_space<vmem>>, vector<1x16xf32>,
    } {sc.loop_unroll_factor = 1 : i64, sc.parallel_access}
    %mul3A_44 = arith.constant 200 : i32
    %mul3A_45 = arith.muli %add3A_32, %mul3A_44 : i32
    "tpu.region"() ({
      %run_scoped3A = tpu.sem_alloc : memref<!tpu.dma_semaphore, #tpu.memory_space<semaphore_mem>>
      %dma_start3A_133 = arith.constant 0 : i32
      %dma_start3A_134 = tpu.memref_slice %arg11[%mul3A_45, %dma_start3A_133] : memref<13824x32xf32, #tpu.memory_space<vmem_shared>> -> memref<200x32xf32, #tpu.memory_space<vmem_shared>>
      %dma_start3A_135 = arith.constant 0 : i32
      %dma_start3A_136 = tpu.memref_slice %arg11[%mul3A_45, %dma_start3A_135] : memref<13824x32xf32, #tpu.memory_space<vmem_shared>> -> memref<200x32xf32, #tpu.memory_space<vmem_shared>>
      tpu.enqueue_dma source(%arg10 : memref<200x32xf32, #tpu.memory_space<vmem>>) target(%dma_start3A_136 : memref<200x32xf32, #tpu.memory_space<vmem_shared>>) target_semaphore(%run_scoped3A : memref<!tpu.dma_semaphore, #tpu.memory_space<semaphore_mem>>)
      %dma_wait3A_137 = arith.constant 0 : i32
      %dma_wait3A_138 = tpu.memref_slice %arg11[%mul3A_45, %dma_wait3A_137] : memref<13824x32xf32, #tpu.memory_space<vmem_shared>> -> memref<200x32xf32, #tpu.memory_space<vmem_shared>>
      %dma_wait3A_139 = arith.constant 0 : i32
      %dma_wait3A_140 = tpu.memref_slice %arg11[%mul3A_45, %dma_wait3A_139] : memref<13824x32xf32, #tpu.memory_space<vmem_shared>> -> memref<200x32xf32, #tpu.memory_space<vmem_shared>>
      tpu.wait_dma2 semaphore(%run_scoped3A : memref<!tpu.dma_semaphore, #tpu.memory_space<semaphore_mem>>) src(%arg10 : memref<200x32xf32, #tpu.memory_space<vmem>>) dst(%dma_wait3A_140 : memref<200x32xf32, #tpu.memory_space<vmem_shared>>)
      tpu.yield
    }) : () -> ()
    %add3A_46 = arith.constant 48 : i32
    %add3A_47 = arith.addi %arg1, %add3A_46 : i32
    %get3A_48 = arith.index_cast %add3A_47 : i32 to index
    %get3A_49 = arith.constant 0 : index
    %get3A_50 = tpu.vector_load %arg8[%get3A_48, %get3A_49] {strides = array<i32>} : memref<80x32xf32, #tpu.memory_space<vmem>>, vector<1x16xf32>,
    %get3A_51 = vector.shape_cast %get3A_50 : vector<1x16xf32> to vector<16xf32>
    %get3A_52 = arith.index_cast %add3A_47 : i32 to index
    %get3A_53 = arith.constant 16 : index
    %get3A_54 = tpu.vector_load %arg8[%get3A_52, %get3A_53] {strides = array<i32>} : memref<80x32xf32, #tpu.memory_space<vmem>>, vector<1x16xf32>,
    %get3A_55 = vector.shape_cast %get3A_54 : vector<1x16xf32> to vector<16xf32>
    %parallel_loop3A_56 = arith.constant 0 : i32
    %parallel_loop3A_57 = arith.constant 200 : i32
    %parallel_loop3A_58 = arith.constant 1 : i32
    scf.for %parallel_loop3A_133 = %parallel_loop3A_56 to %parallel_loop3A_57 step %parallel_loop3A_58  : i32 {
      %parallel_loop3A_134 = arith.index_cast %parallel_loop3A_133 : i32 to index
      %parallel_loop3A_135 = arith.constant 0 : index
      %parallel_loop3A_136 = tpu.vector_load %arg9[%parallel_loop3A_134, %parallel_loop3A_135] {strides = array<i32>} : memref<200x32xf32, #tpu.memory_space<vmem>>, vector<1x16xf32>,
      %parallel_loop3A_137 = vector.shape_cast %parallel_loop3A_136 : vector<1x16xf32> to vector<16xf32>
      %parallel_loop3A_138 = arith.addf %get3A_51, %parallel_loop3A_137 : vector<16xf32>
      %parallel_loop3A_139 = arith.index_cast %parallel_loop3A_133 : i32 to index
      %parallel_loop3A_140 = arith.constant 0 : index
      %parallel_loop3A_141 = tpu.vector_load %arg10[%parallel_loop3A_139, %parallel_loop3A_140] {strides = array<i32>} : memref<200x32xf32, #tpu.memory_space<vmem>>, vector<1x16xf32>,
      %parallel_loop3A_142 = vector.shape_cast %parallel_loop3A_141 : vector<1x16xf32> to vector<16xf32>
      %parallel_loop3A_143 = vector.shape_cast %parallel_loop3A_138 : vector<16xf32> to vector<1x16xf32>
      tpu.vector_store %arg10[%parallel_loop3A_139, %parallel_loop3A_140], %parallel_loop3A_143 {strides = array<i32>} : memref<200x32xf32, #tpu.memory_space<vmem>>, vector<1x16xf32>,
      %parallel_loop3A_144 = arith.index_cast %parallel_loop3A_133 : i32 to index
      %parallel_loop3A_145 = arith.constant 16 : index
      %parallel_loop3A_146 = tpu.vector_load %arg9[%parallel_loop3A_144, %parallel_loop3A_145] {strides = array<i32>} : memref<200x32xf32, #tpu.memory_space<vmem>>, vector<1x16xf32>,
      %parallel_loop3A_147 = vector.shape_cast %parallel_loop3A_146 : vector<1x16xf32> to vector<16xf32>
      %parallel_loop3A_148 = arith.addf %get3A_55, %parallel_loop3A_147 : vector<16xf32>
      %parallel_loop3A_149 = arith.index_cast %parallel_loop3A_133 : i32 to index
      %parallel_loop3A_150 = arith.constant 16 : index
      %parallel_loop3A_151 = tpu.vector_load %arg10[%parallel_loop3A_149, %parallel_loop3A_150] {strides = array<i32>} : memref<200x32xf32, #tpu.memory_space<vmem>>, vector<1x16xf32>,
      %parallel_loop3A_152 = vector.shape_cast %parallel_loop3A_151 : vector<1x16xf32> to vector<16xf32>
      %parallel_loop3A_153 = vector.shape_cast %parallel_loop3A_148 : vector<16xf32> to vector<1x16xf32>
      tpu.vector_store %arg10[%parallel_loop3A_149, %parallel_loop3A_150], %parallel_loop3A_153 {strides = array<i32>} : memref<200x32xf32, #tpu.memory_space<vmem>>, vector<1x16xf32>,
    } {sc.loop_unroll_factor = 1 : i64, sc.parallel_access}
    %mul3A_59 = arith.constant 200 : i32
    %mul3A_60 = arith.muli %add3A_47, %mul3A_59 : i32
    "tpu.region"() ({
      %run_scoped3A = tpu.sem_alloc : memref<!tpu.dma_semaphore, #tpu.memory_space<semaphore_mem>>
      %dma_start3A_133 = arith.constant 0 : i32
      %dma_start3A_134 = tpu.memref_slice %arg11[%mul3A_60, %dma_start3A_133] : memref<13824x32xf32, #tpu.memory_space<vmem_shared>> -> memref<200x32xf32, #tpu.memory_space<vmem_shared>>
      %dma_start3A_135 = arith.constant 0 : i32
      %dma_start3A_136 = tpu.memref_slice %arg11[%mul3A_60, %dma_start3A_135] : memref<13824x32xf32, #tpu.memory_space<vmem_shared>> -> memref<200x32xf32, #tpu.memory_space<vmem_shared>>
      tpu.enqueue_dma source(%arg10 : memref<200x32xf32, #tpu.memory_space<vmem>>) target(%dma_start3A_136 : memref<200x32xf32, #tpu.memory_space<vmem_shared>>) target_semaphore(%run_scoped3A : memref<!tpu.dma_semaphore, #tpu.memory_space<semaphore_mem>>)
      %dma_wait3A_137 = arith.constant 0 : i32
      %dma_wait3A_138 = tpu.memref_slice %arg11[%mul3A_60, %dma_wait3A_137] : memref<13824x32xf32, #tpu.memory_space<vmem_shared>> -> memref<200x32xf32, #tpu.memory_space<vmem_shared>>
      %dma_wait3A_139 = arith.constant 0 : i32
      %dma_wait3A_140 = tpu.memref_slice %arg11[%mul3A_60, %dma_wait3A_139] : memref<13824x32xf32, #tpu.memory_space<vmem_shared>> -> memref<200x32xf32, #tpu.memory_space<vmem_shared>>
      tpu.wait_dma2 semaphore(%run_scoped3A : memref<!tpu.dma_semaphore, #tpu.memory_space<semaphore_mem>>) src(%arg10 : memref<200x32xf32, #tpu.memory_space<vmem>>) dst(%dma_wait3A_140 : memref<200x32xf32, #tpu.memory_space<vmem_shared>>)
      tpu.yield
    }) : () -> ()
    %add3A_61 = arith.constant 64 : i32
    %add3A_62 = arith.addi %arg1, %add3A_61 : i32
    %get3A_63 = arith.index_cast %add3A_62 : i32 to index
    %get3A_64 = arith.constant 0 : index
    %get3A_65 = tpu.vector_load %arg8[%get3A_63, %get3A_64] {strides = array<i32>} : memref<80x32xf32, #tpu.memory_space<vmem>>, vector<1x16xf32>,
    %get3A_66 = vector.shape_cast %get3A_65 : vector<1x16xf32> to vector<16xf32>
    %get3A_67 = arith.index_cast %add3A_62 : i32 to index
    %get3A_68 = arith.constant 16 : index
    %get3A_69 = tpu.vector_load %arg8[%get3A_67, %get3A_68] {strides = array<i32>} : memref<80x32xf32, #tpu.memory_space<vmem>>, vector<1x16xf32>,
    %get3A_70 = vector.shape_cast %get3A_69 : vector<1x16xf32> to vector<16xf32>
    %parallel_loop3A_71 = arith.constant 0 : i32
    %parallel_loop3A_72 = arith.constant 200 : i32
    %parallel_loop3A_73 = arith.constant 1 : i32
    scf.for %parallel_loop3A_133 = %parallel_loop3A_71 to %parallel_loop3A_72 step %parallel_loop3A_73  : i32 {
      %parallel_loop3A_134 = arith.index_cast %parallel_loop3A_133 : i32 to index
      %parallel_loop3A_135 = arith.constant 0 : index
      %parallel_loop3A_136 = tpu.vector_load %arg9[%parallel_loop3A_134, %parallel_loop3A_135] {strides = array<i32>} : memref<200x32xf32, #tpu.memory_space<vmem>>, vector<1x16xf32>,
      %parallel_loop3A_137 = vector.shape_cast %parallel_loop3A_136 : vector<1x16xf32> to vector<16xf32>
      %parallel_loop3A_138 = arith.addf %get3A_66, %parallel_loop3A_137 : vector<16xf32>
      %parallel_loop3A_139 = arith.index_cast %parallel_loop3A_133 : i32 to index
      %parallel_loop3A_140 = arith.constant 0 : index
      %parallel_loop3A_141 = tpu.vector_load %arg10[%parallel_loop3A_139, %parallel_loop3A_140] {strides = array<i32>} : memref<200x32xf32, #tpu.memory_space<vmem>>, vector<1x16xf32>,
      %parallel_loop3A_142 = vector.shape_cast %parallel_loop3A_141 : vector<1x16xf32> to vector<16xf32>
      %parallel_loop3A_143 = vector.shape_cast %parallel_loop3A_138 : vector<16xf32> to vector<1x16xf32>
      tpu.vector_store %arg10[%parallel_loop3A_139, %parallel_loop3A_140], %parallel_loop3A_143 {strides = array<i32>} : memref<200x32xf32, #tpu.memory_space<vmem>>, vector<1x16xf32>,
      %parallel_loop3A_144 = arith.index_cast %parallel_loop3A_133 : i32 to index
      %parallel_loop3A_145 = arith.constant 16 : index
      %parallel_loop3A_146 = tpu.vector_load %arg9[%parallel_loop3A_144, %parallel_loop3A_145] {strides = array<i32>} : memref<200x32xf32, #tpu.memory_space<vmem>>, vector<1x16xf32>,
      %parallel_loop3A_147 = vector.shape_cast %parallel_loop3A_146 : vector<1x16xf32> to vector<16xf32>
      %parallel_loop3A_148 = arith.addf %get3A_70, %parallel_loop3A_147 : vector<16xf32>
      %parallel_loop3A_149 = arith.index_cast %parallel_loop3A_133 : i32 to index
      %parallel_loop3A_150 = arith.constant 16 : index
      %parallel_loop3A_151 = tpu.vector_load %arg10[%parallel_loop3A_149, %parallel_loop3A_150] {strides = array<i32>} : memref<200x32xf32, #tpu.memory_space<vmem>>, vector<1x16xf32>,
      %parallel_loop3A_152 = vector.shape_cast %parallel_loop3A_151 : vector<1x16xf32> to vector<16xf32>
      %parallel_loop3A_153 = vector.shape_cast %parallel_loop3A_148 : vector<16xf32> to vector<1x16xf32>
      tpu.vector_store %arg10[%parallel_loop3A_149, %parallel_loop3A_150], %parallel_loop3A_153 {strides = array<i32>} : memref<200x32xf32, #tpu.memory_space<vmem>>, vector<1x16xf32>,
    } {sc.loop_unroll_factor = 1 : i64, sc.parallel_access}
    %mul3A_74 = arith.constant 200 : i32
    %mul3A_75 = arith.muli %add3A_62, %mul3A_74 : i32
    "tpu.region"() ({
      %run_scoped3A = tpu.sem_alloc : memref<!tpu.dma_semaphore, #tpu.memory_space<semaphore_mem>>
      %dma_start3A_133 = arith.constant 0 : i32
      %dma_start3A_134 = tpu.memref_slice %arg11[%mul3A_75, %dma_start3A_133] : memref<13824x32xf32, #tpu.memory_space<vmem_shared>> -> memref<200x32xf32, #tpu.memory_space<vmem_shared>>
      %dma_start3A_135 = arith.constant 0 : i32
      %dma_start3A_136 = tpu.memref_slice %arg11[%mul3A_75, %dma_start3A_135] : memref<13824x32xf32, #tpu.memory_space<vmem_shared>> -> memref<200x32xf32, #tpu.memory_space<vmem_shared>>
      tpu.enqueue_dma source(%arg10 : memref<200x32xf32, #tpu.memory_space<vmem>>) target(%dma_start3A_136 : memref<200x32xf32, #tpu.memory_space<vmem_shared>>) target_semaphore(%run_scoped3A : memref<!tpu.dma_semaphore, #tpu.memory_space<semaphore_mem>>)
      %dma_wait3A_137 = arith.constant 0 : i32
      %dma_wait3A_138 = tpu.memref_slice %arg11[%mul3A_75, %dma_wait3A_137] : memref<13824x32xf32, #tpu.memory_space<vmem_shared>> -> memref<200x32xf32, #tpu.memory_space<vmem_shared>>
      %dma_wait3A_139 = arith.constant 0 : i32
      %dma_wait3A_140 = tpu.memref_slice %arg11[%mul3A_75, %dma_wait3A_139] : memref<13824x32xf32, #tpu.memory_space<vmem_shared>> -> memref<200x32xf32, #tpu.memory_space<vmem_shared>>
      tpu.wait_dma2 semaphore(%run_scoped3A : memref<!tpu.dma_semaphore, #tpu.memory_space<semaphore_mem>>) src(%arg10 : memref<200x32xf32, #tpu.memory_space<vmem>>) dst(%dma_wait3A_140 : memref<200x32xf32, #tpu.memory_space<vmem_shared>>)
      tpu.yield
    }) : () -> ()
    %barrier3A = arith.constant 0 : index
    tpu.barrier barrier_id(%barrier3A)
    %add3A_76 = arith.constant 0 : i32
    %add3A_77 = arith.addi %mul3A_2, %add3A_76 : i32
    "tpu.region"() ({
      %run_scoped3A = tpu.sem_alloc : memref<!tpu.dma_semaphore, #tpu.memory_space<semaphore_mem>>
      %dma_start3A_133 = arith.constant 0 : i32
      %dma_start3A_134 = tpu.memref_slice %arg2[%add3A_77, %dma_start3A_133] : memref<6400x128xi32, #tpu.memory_space<hbm>> -> memref<4x128xi32, #tpu.memory_space<hbm>>
      %dma_start3A_135 = arith.constant 0 : i32
      %dma_start3A_136 = tpu.memref_slice %arg2[%add3A_77, %dma_start3A_135] : memref<6400x128xi32, #tpu.memory_space<hbm>> -> memref<4x128xi32, #tpu.memory_space<hbm>>
      tpu.enqueue_dma source(%dma_start3A_136 : memref<4x128xi32, #tpu.memory_space<hbm>>) target(%arg12 : memref<4x128xi32, #tpu.memory_space<vmem>>) target_semaphore(%run_scoped3A : memref<!tpu.dma_semaphore, #tpu.memory_space<semaphore_mem>>)
      %dma_wait3A_137 = arith.constant 0 : i32
      %dma_wait3A_138 = tpu.memref_slice %arg2[%add3A_77, %dma_wait3A_137] : memref<6400x128xi32, #tpu.memory_space<hbm>> -> memref<4x128xi32, #tpu.memory_space<hbm>>
      %dma_wait3A_139 = arith.constant 0 : i32
      %dma_wait3A_140 = tpu.memref_slice %arg2[%add3A_77, %dma_wait3A_139] : memref<6400x128xi32, #tpu.memory_space<hbm>> -> memref<4x128xi32, #tpu.memory_space<hbm>>
      tpu.wait_dma2 semaphore(%run_scoped3A : memref<!tpu.dma_semaphore, #tpu.memory_space<semaphore_mem>>) src(%dma_wait3A_140 : memref<4x128xi32, #tpu.memory_space<hbm>>) dst(%arg12 : memref<4x128xi32, #tpu.memory_space<vmem>>)
      tpu.yield
    }) : () -> ()
    "tpu.region"() ({
      %run_scoped3A = tpu.sem_alloc : memref<!tpu.dma_semaphore, #tpu.memory_space<semaphore_mem>>
      %dma_start3A_133 = arith.constant 0 : i32
      %dma_start3A_134 = tpu.memref_slice %arg3[%add3A_77, %dma_start3A_133] : memref<6400x128xi32, #tpu.memory_space<hbm>> -> memref<4x128xi32, #tpu.memory_space<hbm>>
      %dma_start3A_135 = arith.constant 0 : i32
      %dma_start3A_136 = tpu.memref_slice %arg3[%add3A_77, %dma_start3A_135] : memref<6400x128xi32, #tpu.memory_space<hbm>> -> memref<4x128xi32, #tpu.memory_space<hbm>>
      tpu.enqueue_dma source(%dma_start3A_136 : memref<4x128xi32, #tpu.memory_space<hbm>>) target(%arg14 : memref<4x128xi32, #tpu.memory_space<vmem>>) target_semaphore(%run_scoped3A : memref<!tpu.dma_semaphore, #tpu.memory_space<semaphore_mem>>)
      %dma_wait3A_137 = arith.constant 0 : i32
      %dma_wait3A_138 = tpu.memref_slice %arg3[%add3A_77, %dma_wait3A_137] : memref<6400x128xi32, #tpu.memory_space<hbm>> -> memref<4x128xi32, #tpu.memory_space<hbm>>
      %dma_wait3A_139 = arith.constant 0 : i32
      %dma_wait3A_140 = tpu.memref_slice %arg3[%add3A_77, %dma_wait3A_139] : memref<6400x128xi32, #tpu.memory_space<hbm>> -> memref<4x128xi32, #tpu.memory_space<hbm>>
      tpu.wait_dma2 semaphore(%run_scoped3A : memref<!tpu.dma_semaphore, #tpu.memory_space<semaphore_mem>>) src(%dma_wait3A_140 : memref<4x128xi32, #tpu.memory_space<hbm>>) dst(%arg14 : memref<4x128xi32, #tpu.memory_space<vmem>>)
      tpu.yield
    }) : () -> ()
    %dma_start3A = arith.constant 0 : i32
    %dma_start3A_78 = arith.constant 0 : i32
    %dma_start3A_79 = arith.constant 0 : i32
    %dma_start3A_80 = tpu.memref_slice %arg16[%dma_start3A_78, %dma_start3A_79] : memref<512x32xf32, #tpu.memory_space<vmem>> -> memref<128x32xf32, #tpu.memory_space<vmem>>
    %dma_start3A_81 = arith.constant 0 : i32
    %dma_start3A_82 = tpu.memref_slice %arg12[%dma_start3A, %dma_start3A_81] : memref<4x128xi32, #tpu.memory_space<vmem>> -> memref<1x128xi32, #tpu.memory_space<vmem>>
    %dma_start3A_83 = tpu.memref_squeeze %dma_start3A_82 : memref<1x128xi32, #tpu.memory_space<vmem>> -> memref<128xi32, #tpu.memory_space<vmem>>
    %dma_start3A_84 = arith.constant 0 : i32
    %dma_start3A_85 = arith.constant 0 : i32
    %dma_start3A_86 = tpu.memref_slice %arg4[%dma_start3A_84, %dma_start3A_85] : memref<1000000x32xf32, #tpu.memory_space<hbm>> -> memref<1000000x32xf32, #tpu.memory_space<hbm>>
    tpu.enqueue_indirect_dma source(%dma_start3A_86 : memref<1000000x32xf32, #tpu.memory_space<hbm>>) target(%dma_start3A_80 : memref<128x32xf32, #tpu.memory_space<vmem>>) offsets(%dma_start3A_83 : memref<128xi32, #tpu.memory_space<vmem>>) semaphore(%arg21 : memref<!tpu.dma_semaphore, #tpu.memory_space<semaphore_mem>>)
    %dma_start3A_87 = arith.constant 1 : i32
    %dma_start3A_88 = arith.constant 128 : i32
    %dma_start3A_89 = arith.constant 0 : i32
    %dma_start3A_90 = tpu.memref_slice %arg16[%dma_start3A_88, %dma_start3A_89] : memref<512x32xf32, #tpu.memory_space<vmem>> -> memref<128x32xf32, #tpu.memory_space<vmem>>
    %dma_start3A_91 = arith.constant 0 : i32
    %dma_start3A_92 = tpu.memref_slice %arg12[%dma_start3A_87, %dma_start3A_91] : memref<4x128xi32, #tpu.memory_space<vmem>> -> memref<1x128xi32, #tpu.memory_space<vmem>>
    %dma_start3A_93 = tpu.memref_squeeze %dma_start3A_92 : memref<1x128xi32, #tpu.memory_space<vmem>> -> memref<128xi32, #tpu.memory_space<vmem>>
    %dma_start3A_94 = arith.constant 0 : i32
    %dma_start3A_95 = arith.constant 0 : i32
    %dma_start3A_96 = tpu.memref_slice %arg4[%dma_start3A_94, %dma_start3A_95] : memref<1000000x32xf32, #tpu.memory_space<hbm>> -> memref<1000000x32xf32, #tpu.memory_space<hbm>>
    tpu.enqueue_indirect_dma source(%dma_start3A_96 : memref<1000000x32xf32, #tpu.memory_space<hbm>>) target(%dma_start3A_90 : memref<128x32xf32, #tpu.memory_space<vmem>>) offsets(%dma_start3A_93 : memref<128xi32, #tpu.memory_space<vmem>>) semaphore(%arg21 : memref<!tpu.dma_semaphore, #tpu.memory_space<semaphore_mem>>)
    %dma_start3A_97 = arith.constant 2 : i32
    %dma_start3A_98 = arith.constant 256 : i32
    %dma_start3A_99 = arith.constant 0 : i32
    %dma_start3A_100 = tpu.memref_slice %arg16[%dma_start3A_98, %dma_start3A_99] : memref<512x32xf32, #tpu.memory_space<vmem>> -> memref<128x32xf32, #tpu.memory_space<vmem>>
    %dma_start3A_101 = arith.constant 0 : i32
    %dma_start3A_102 = tpu.memref_slice %arg12[%dma_start3A_97, %dma_start3A_101] : memref<4x128xi32, #tpu.memory_space<vmem>> -> memref<1x128xi32, #tpu.memory_space<vmem>>
    %dma_start3A_103 = tpu.memref_squeeze %dma_start3A_102 : memref<1x128xi32, #tpu.memory_space<vmem>> -> memref<128xi32, #tpu.memory_space<vmem>>
    %dma_start3A_104 = arith.constant 0 : i32
    %dma_start3A_105 = arith.constant 0 : i32
    %dma_start3A_106 = tpu.memref_slice %arg4[%dma_start3A_104, %dma_start3A_105] : memref<1000000x32xf32, #tpu.memory_space<hbm>> -> memref<1000000x32xf32, #tpu.memory_space<hbm>>
    tpu.enqueue_indirect_dma source(%dma_start3A_106 : memref<1000000x32xf32, #tpu.memory_space<hbm>>) target(%dma_start3A_100 : memref<128x32xf32, #tpu.memory_space<vmem>>) offsets(%dma_start3A_103 : memref<128xi32, #tpu.memory_space<vmem>>) semaphore(%arg21 : memref<!tpu.dma_semaphore, #tpu.memory_space<semaphore_mem>>)
    %dma_start3A_107 = arith.constant 3 : i32
    %dma_start3A_108 = arith.constant 384 : i32
    %dma_start3A_109 = arith.constant 0 : i32
    %dma_start3A_110 = tpu.memref_slice %arg16[%dma_start3A_108, %dma_start3A_109] : memref<512x32xf32, #tpu.memory_space<vmem>> -> memref<128x32xf32, #tpu.memory_space<vmem>>
    %dma_start3A_111 = arith.constant 0 : i32
    %dma_start3A_112 = tpu.memref_slice %arg12[%dma_start3A_107, %dma_start3A_111] : memref<4x128xi32, #tpu.memory_space<vmem>> -> memref<1x128xi32, #tpu.memory_space<vmem>>
    %dma_start3A_113 = tpu.memref_squeeze %dma_start3A_112 : memref<1x128xi32, #tpu.memory_space<vmem>> -> memref<128xi32, #tpu.memory_space<vmem>>
    %dma_start3A_114 = arith.constant 0 : i32
    %dma_start3A_115 = arith.constant 0 : i32
    %dma_start3A_116 = tpu.memref_slice %arg4[%dma_start3A_114, %dma_start3A_115] : memref<1000000x32xf32, #tpu.memory_space<hbm>> -> memref<1000000x32xf32, #tpu.memory_space<hbm>>
    tpu.enqueue_indirect_dma source(%dma_start3A_116 : memref<1000000x32xf32, #tpu.memory_space<hbm>>) target(%dma_start3A_110 : memref<128x32xf32, #tpu.memory_space<vmem>>) offsets(%dma_start3A_113 : memref<128xi32, #tpu.memory_space<vmem>>) semaphore(%arg21 : memref<!tpu.dma_semaphore, #tpu.memory_space<semaphore_mem>>)
    %scan3A = arith.constant 0 : i32
    %scan3A_117 = arith.constant 0 : i32
    %scan3A_118 = arith.constant 25 : i32
    %scan3A_119 = arith.addi %scan3A_117, %scan3A_118 : i32
    %scan3A_120 = arith.constant 1 : i32
    scf.for %scan3A_133 = %scan3A_117 to %scan3A_119 step %scan3A_120  : i32 {
      %mul3A_134 = arith.constant 2 : i32
      %mul3A_135 = arith.muli %scan3A_133, %mul3A_134 : i32
      %gt3A = arith.constant 0 : i32
      %gt3A_136 = arith.cmpi sgt, %scan3A_133, %gt3A : i32
      %convert_element_type3A = arith.extui %gt3A_136 : i1 to i32
      %cond3A = arith.constant 0 : i32
      %cond3A_137 = arith.cmpi ne, %convert_element_type3A, %cond3A : i32
      scf.if %cond3A_137 {
        %dma_wait3A_340 = arith.constant 0 : i32
        %dma_wait3A_341 = arith.constant 0 : i32
        %dma_wait3A_342 = tpu.memref_slice %arg7[%dma_wait3A_340, %dma_wait3A_341] : memref<204800x128xf32, #tpu.memory_space<hbm>> -> memref<128x128xf32, #tpu.memory_space<hbm>>
        %dma_wait3A_343 = arith.constant 0 : i32
        %dma_wait3A_344 = arith.constant 0 : i32
        %dma_wait3A_345 = tpu.memref_slice %arg7[%dma_wait3A_343, %dma_wait3A_344] : memref<204800x128xf32, #tpu.memory_space<hbm>> -> memref<128x128xf32, #tpu.memory_space<hbm>>
        tpu.wait_dma2 semaphore(%arg24 : memref<!tpu.dma_semaphore, #tpu.memory_space<semaphore_mem>>) src(%arg20 : memref<128x128xf32, #tpu.memory_space<vmem>>) dst(%dma_wait3A_345 : memref<128x128xf32, #tpu.memory_space<hbm>>)
      } else {
      }
      %add3A_138 = arith.constant 1 : i32
      %add3A_139 = arith.addi %mul3A_135, %add3A_138 : i32
      %mul3A_140 = arith.constant 4 : i32
      %mul3A_141 = arith.muli %add3A_139, %mul3A_140 : i32
      %add3A_142 = arith.addi %mul3A_2, %mul3A_141 : i32
      "tpu.region"() ({
        %run_scoped3A_340 = tpu.sem_alloc : memref<!tpu.dma_semaphore, #tpu.memory_space<semaphore_mem>>
        %dma_start3A_341 = arith.constant 0 : i32
        %dma_start3A_342 = tpu.memref_slice %arg2[%add3A_142, %dma_start3A_341] : memref<6400x128xi32, #tpu.memory_space<hbm>> -> memref<4x128xi32, #tpu.memory_space<hbm>>
        %dma_start3A_343 = arith.constant 0 : i32
        %dma_start3A_344 = tpu.memref_slice %arg2[%add3A_142, %dma_start3A_343] : memref<6400x128xi32, #tpu.memory_space<hbm>> -> memref<4x128xi32, #tpu.memory_space<hbm>>
        tpu.enqueue_dma source(%dma_start3A_344 : memref<4x128xi32, #tpu.memory_space<hbm>>) target(%arg13 : memref<4x128xi32, #tpu.memory_space<vmem>>) target_semaphore(%run_scoped3A_340 : memref<!tpu.dma_semaphore, #tpu.memory_space<semaphore_mem>>)
        %dma_wait3A_345 = arith.constant 0 : i32
        %dma_wait3A_346 = tpu.memref_slice %arg2[%add3A_142, %dma_wait3A_345] : memref<6400x128xi32, #tpu.memory_space<hbm>> -> memref<4x128xi32, #tpu.memory_space<hbm>>
        %dma_wait3A_347 = arith.constant 0 : i32
        %dma_wait3A_348 = tpu.memref_slice %arg2[%add3A_142, %dma_wait3A_347] : memref<6400x128xi32, #tpu.memory_space<hbm>> -> memref<4x128xi32, #tpu.memory_space<hbm>>
        tpu.wait_dma2 semaphore(%run_scoped3A_340 : memref<!tpu.dma_semaphore, #tpu.memory_space<semaphore_mem>>) src(%dma_wait3A_348 : memref<4x128xi32, #tpu.memory_space<hbm>>) dst(%arg13 : memref<4x128xi32, #tpu.memory_space<vmem>>)
        tpu.yield
      }) : () -> ()
      "tpu.region"() ({
        %run_scoped3A_340 = tpu.sem_alloc : memref<!tpu.dma_semaphore, #tpu.memory_space<semaphore_mem>>
        %dma_start3A_341 = arith.constant 0 : i32
        %dma_start3A_342 = tpu.memref_slice %arg3[%add3A_142, %dma_start3A_341] : memref<6400x128xi32, #tpu.memory_space<hbm>> -> memref<4x128xi32, #tpu.memory_space<hbm>>
        %dma_start3A_343 = arith.constant 0 : i32
        %dma_start3A_344 = tpu.memref_slice %arg3[%add3A_142, %dma_start3A_343] : memref<6400x128xi32, #tpu.memory_space<hbm>> -> memref<4x128xi32, #tpu.memory_space<hbm>>
        tpu.enqueue_dma source(%dma_start3A_344 : memref<4x128xi32, #tpu.memory_space<hbm>>) target(%arg15 : memref<4x128xi32, #tpu.memory_space<vmem>>) target_semaphore(%run_scoped3A_340 : memref<!tpu.dma_semaphore, #tpu.memory_space<semaphore_mem>>)
        %dma_wait3A_345 = arith.constant 0 : i32
        %dma_wait3A_346 = tpu.memref_slice %arg3[%add3A_142, %dma_wait3A_345] : memref<6400x128xi32, #tpu.memory_space<hbm>> -> memref<4x128xi32, #tpu.memory_space<hbm>>
        %dma_wait3A_347 = arith.constant 0 : i32
        %dma_wait3A_348 = tpu.memref_slice %arg3[%add3A_142, %dma_wait3A_347] : memref<6400x128xi32, #tpu.memory_space<hbm>> -> memref<4x128xi32, #tpu.memory_space<hbm>>
        tpu.wait_dma2 semaphore(%run_scoped3A_340 : memref<!tpu.dma_semaphore, #tpu.memory_space<semaphore_mem>>) src(%dma_wait3A_348 : memref<4x128xi32, #tpu.memory_space<hbm>>) dst(%arg15 : memref<4x128xi32, #tpu.memory_space<vmem>>)
        tpu.yield
      }) : () -> ()
      %dma_start3A_143 = arith.constant 0 : i32
      %dma_start3A_144 = arith.constant 0 : i32
      %dma_start3A_145 = arith.constant 0 : i32
      %dma_start3A_146 = tpu.memref_slice %arg17[%dma_start3A_144, %dma_start3A_145] : memref<512x32xf32, #tpu.memory_space<vmem>> -> memref<128x32xf32, #tpu.memory_space<vmem>>
      %dma_start3A_147 = arith.constant 0 : i32
      %dma_start3A_148 = tpu.memref_slice %arg13[%dma_start3A_143, %dma_start3A_147] : memref<4x128xi32, #tpu.memory_space<vmem>> -> memref<1x128xi32, #tpu.memory_space<vmem>>
      %dma_start3A_149 = tpu.memref_squeeze %dma_start3A_148 : memref<1x128xi32, #tpu.memory_space<vmem>> -> memref<128xi32, #tpu.memory_space<vmem>>
      %dma_start3A_150 = arith.constant 0 : i32
      %dma_start3A_151 = arith.constant 0 : i32
      %dma_start3A_152 = tpu.memref_slice %arg4[%dma_start3A_150, %dma_start3A_151] : memref<1000000x32xf32, #tpu.memory_space<hbm>> -> memref<1000000x32xf32, #tpu.memory_space<hbm>>
      tpu.enqueue_indirect_dma source(%dma_start3A_152 : memref<1000000x32xf32, #tpu.memory_space<hbm>>) target(%dma_start3A_146 : memref<128x32xf32, #tpu.memory_space<vmem>>) offsets(%dma_start3A_149 : memref<128xi32, #tpu.memory_space<vmem>>) semaphore(%arg22 : memref<!tpu.dma_semaphore, #tpu.memory_space<semaphore_mem>>)
      %dma_start3A_153 = arith.constant 1 : i32
      %dma_start3A_154 = arith.constant 128 : i32
      %dma_start3A_155 = arith.constant 0 : i32
      %dma_start3A_156 = tpu.memref_slice %arg17[%dma_start3A_154, %dma_start3A_155] : memref<512x32xf32, #tpu.memory_space<vmem>> -> memref<128x32xf32, #tpu.memory_space<vmem>>
      %dma_start3A_157 = arith.constant 0 : i32
      %dma_start3A_158 = tpu.memref_slice %arg13[%dma_start3A_153, %dma_start3A_157] : memref<4x128xi32, #tpu.memory_space<vmem>> -> memref<1x128xi32, #tpu.memory_space<vmem>>
      %dma_start3A_159 = tpu.memref_squeeze %dma_start3A_158 : memref<1x128xi32, #tpu.memory_space<vmem>> -> memref<128xi32, #tpu.memory_space<vmem>>
      %dma_start3A_160 = arith.constant 0 : i32
      %dma_start3A_161 = arith.constant 0 : i32
      %dma_start3A_162 = tpu.memref_slice %arg4[%dma_start3A_160, %dma_start3A_161] : memref<1000000x32xf32, #tpu.memory_space<hbm>> -> memref<1000000x32xf32, #tpu.memory_space<hbm>>
      tpu.enqueue_indirect_dma source(%dma_start3A_162 : memref<1000000x32xf32, #tpu.memory_space<hbm>>) target(%dma_start3A_156 : memref<128x32xf32, #tpu.memory_space<vmem>>) offsets(%dma_start3A_159 : memref<128xi32, #tpu.memory_space<vmem>>) semaphore(%arg22 : memref<!tpu.dma_semaphore, #tpu.memory_space<semaphore_mem>>)
      %dma_start3A_163 = arith.constant 2 : i32
      %dma_start3A_164 = arith.constant 256 : i32
      %dma_start3A_165 = arith.constant 0 : i32
      %dma_start3A_166 = tpu.memref_slice %arg17[%dma_start3A_164, %dma_start3A_165] : memref<512x32xf32, #tpu.memory_space<vmem>> -> memref<128x32xf32, #tpu.memory_space<vmem>>
      %dma_start3A_167 = arith.constant 0 : i32
      %dma_start3A_168 = tpu.memref_slice %arg13[%dma_start3A_163, %dma_start3A_167] : memref<4x128xi32, #tpu.memory_space<vmem>> -> memref<1x128xi32, #tpu.memory_space<vmem>>
      %dma_start3A_169 = tpu.memref_squeeze %dma_start3A_168 : memref<1x128xi32, #tpu.memory_space<vmem>> -> memref<128xi32, #tpu.memory_space<vmem>>
      %dma_start3A_170 = arith.constant 0 : i32
      %dma_start3A_171 = arith.constant 0 : i32
      %dma_start3A_172 = tpu.memref_slice %arg4[%dma_start3A_170, %dma_start3A_171] : memref<1000000x32xf32, #tpu.memory_space<hbm>> -> memref<1000000x32xf32, #tpu.memory_space<hbm>>
      tpu.enqueue_indirect_dma source(%dma_start3A_172 : memref<1000000x32xf32, #tpu.memory_space<hbm>>) target(%dma_start3A_166 : memref<128x32xf32, #tpu.memory_space<vmem>>) offsets(%dma_start3A_169 : memref<128xi32, #tpu.memory_space<vmem>>) semaphore(%arg22 : memref<!tpu.dma_semaphore, #tpu.memory_space<semaphore_mem>>)
      %dma_start3A_173 = arith.constant 3 : i32
      %dma_start3A_174 = arith.constant 384 : i32
      %dma_start3A_175 = arith.constant 0 : i32
      %dma_start3A_176 = tpu.memref_slice %arg17[%dma_start3A_174, %dma_start3A_175] : memref<512x32xf32, #tpu.memory_space<vmem>> -> memref<128x32xf32, #tpu.memory_space<vmem>>
      %dma_start3A_177 = arith.constant 0 : i32
      %dma_start3A_178 = tpu.memref_slice %arg13[%dma_start3A_173, %dma_start3A_177] : memref<4x128xi32, #tpu.memory_space<vmem>> -> memref<1x128xi32, #tpu.memory_space<vmem>>
      %dma_start3A_179 = tpu.memref_squeeze %dma_start3A_178 : memref<1x128xi32, #tpu.memory_space<vmem>> -> memref<128xi32, #tpu.memory_space<vmem>>
      %dma_start3A_180 = arith.constant 0 : i32
      %dma_start3A_181 = arith.constant 0 : i32
      %dma_start3A_182 = tpu.memref_slice %arg4[%dma_start3A_180, %dma_start3A_181] : memref<1000000x32xf32, #tpu.memory_space<hbm>> -> memref<1000000x32xf32, #tpu.memory_space<hbm>>
      tpu.enqueue_indirect_dma source(%dma_start3A_182 : memref<1000000x32xf32, #tpu.memory_space<hbm>>) target(%dma_start3A_176 : memref<128x32xf32, #tpu.memory_space<vmem>>) offsets(%dma_start3A_179 : memref<128xi32, #tpu.memory_space<vmem>>) semaphore(%arg22 : memref<!tpu.dma_semaphore, #tpu.memory_space<semaphore_mem>>)
      %run_scoped3A = arith.constant 0 : i32
      "tpu.region"() ({
        %run_scoped3A_340 = tpu.sem_alloc : memref<!tpu.dma_semaphore, #tpu.memory_space<semaphore_mem>>
        %dma_start3A_341 = arith.constant 0 : i32
        %dma_start3A_342 = arith.constant 0 : i32
        %dma_start3A_343 = tpu.memref_slice %arg18[%dma_start3A_341, %dma_start3A_342] : memref<512x32xf32, #tpu.memory_space<vmem>> -> memref<128x32xf32, #tpu.memory_space<vmem>>
        %dma_start3A_344 = arith.constant 0 : i32
        %dma_start3A_345 = tpu.memref_slice %arg14[%run_scoped3A, %dma_start3A_344] : memref<4x128xi32, #tpu.memory_space<vmem>> -> memref<1x128xi32, #tpu.memory_space<vmem>>
        %dma_start3A_346 = tpu.memref_squeeze %dma_start3A_345 : memref<1x128xi32, #tpu.memory_space<vmem>> -> memref<128xi32, #tpu.memory_space<vmem>>
        %dma_start3A_347 = arith.constant 0 : i32
        %dma_start3A_348 = arith.constant 0 : i32
        %dma_start3A_349 = tpu.memref_slice %arg11[%dma_start3A_347, %dma_start3A_348] : memref<13824x32xf32, #tpu.memory_space<vmem_shared>> -> memref<13824x32xf32, #tpu.memory_space<vmem_shared>>
        tpu.enqueue_indirect_dma source(%dma_start3A_349 : memref<13824x32xf32, #tpu.memory_space<vmem_shared>>) target(%dma_start3A_343 : memref<128x32xf32, #tpu.memory_space<vmem>>) offsets(%dma_start3A_346 : memref<128xi32, #tpu.memory_space<vmem>>) semaphore(%run_scoped3A_340 : memref<!tpu.dma_semaphore, #tpu.memory_space<semaphore_mem>>)
        %dma_wait3A_350 = arith.constant 0 : i32
        %dma_wait3A_351 = arith.constant 0 : i32
        %dma_wait3A_352 = tpu.memref_slice %arg18[%dma_wait3A_350, %dma_wait3A_351] : memref<512x32xf32, #tpu.memory_space<vmem>> -> memref<128x32xf32, #tpu.memory_space<vmem>>
        %dma_wait3A_353 = arith.constant 0 : i32
        %dma_wait3A_354 = tpu.memref_slice %arg14[%run_scoped3A, %dma_wait3A_353] : memref<4x128xi32, #tpu.memory_space<vmem>> -> memref<1x128xi32, #tpu.memory_space<vmem>>
        %dma_wait3A_355 = tpu.memref_squeeze %dma_wait3A_354 : memref<1x128xi32, #tpu.memory_space<vmem>> -> memref<128xi32, #tpu.memory_space<vmem>>
        %dma_wait3A_356 = arith.constant 0 : i32
        %dma_wait3A_357 = arith.constant 0 : i32
        %dma_wait3A_358 = tpu.memref_slice %arg11[%dma_wait3A_356, %dma_wait3A_357] : memref<13824x32xf32, #tpu.memory_space<vmem_shared>> -> memref<13824x32xf32, #tpu.memory_space<vmem_shared>>
        tpu.wait_indirect_dma semaphore(%run_scoped3A_340 : memref<!tpu.dma_semaphore, #tpu.memory_space<semaphore_mem>>) src(%dma_wait3A_358 : memref<13824x32xf32, #tpu.memory_space<vmem_shared>>) dst(%dma_wait3A_352 : memref<128x32xf32, #tpu.memory_space<vmem>>)
        tpu.yield
      }) : () -> ()
      %run_scoped3A_183 = arith.constant 1 : i32
      "tpu.region"() ({
        %run_scoped3A_340 = tpu.sem_alloc : memref<!tpu.dma_semaphore, #tpu.memory_space<semaphore_mem>>
        %dma_start3A_341 = arith.constant 128 : i32
        %dma_start3A_342 = arith.constant 0 : i32
        %dma_start3A_343 = tpu.memref_slice %arg18[%dma_start3A_341, %dma_start3A_342] : memref<512x32xf32, #tpu.memory_space<vmem>> -> memref<128x32xf32, #tpu.memory_space<vmem>>
        %dma_start3A_344 = arith.constant 0 : i32
        %dma_start3A_345 = tpu.memref_slice %arg14[%run_scoped3A_183, %dma_start3A_344] : memref<4x128xi32, #tpu.memory_space<vmem>> -> memref<1x128xi32, #tpu.memory_space<vmem>>
        %dma_start3A_346 = tpu.memref_squeeze %dma_start3A_345 : memref<1x128xi32, #tpu.memory_space<vmem>> -> memref<128xi32, #tpu.memory_space<vmem>>
        %dma_start3A_347 = arith.constant 0 : i32
        %dma_start3A_348 = arith.constant 0 : i32
        %dma_start3A_349 = tpu.memref_slice %arg11[%dma_start3A_347, %dma_start3A_348] : memref<13824x32xf32, #tpu.memory_space<vmem_shared>> -> memref<13824x32xf32, #tpu.memory_space<vmem_shared>>
        tpu.enqueue_indirect_dma source(%dma_start3A_349 : memref<13824x32xf32, #tpu.memory_space<vmem_shared>>) target(%dma_start3A_343 : memref<128x32xf32, #tpu.memory_space<vmem>>) offsets(%dma_start3A_346 : memref<128xi32, #tpu.memory_space<vmem>>) semaphore(%run_scoped3A_340 : memref<!tpu.dma_semaphore, #tpu.memory_space<semaphore_mem>>)
        %dma_wait3A_350 = arith.constant 128 : i32
        %dma_wait3A_351 = arith.constant 0 : i32
        %dma_wait3A_352 = tpu.memref_slice %arg18[%dma_wait3A_350, %dma_wait3A_351] : memref<512x32xf32, #tpu.memory_space<vmem>> -> memref<128x32xf32, #tpu.memory_space<vmem>>
        %dma_wait3A_353 = arith.constant 0 : i32
        %dma_wait3A_354 = tpu.memref_slice %arg14[%run_scoped3A_183, %dma_wait3A_353] : memref<4x128xi32, #tpu.memory_space<vmem>> -> memref<1x128xi32, #tpu.memory_space<vmem>>
        %dma_wait3A_355 = tpu.memref_squeeze %dma_wait3A_354 : memref<1x128xi32, #tpu.memory_space<vmem>> -> memref<128xi32, #tpu.memory_space<vmem>>
        %dma_wait3A_356 = arith.constant 0 : i32
        %dma_wait3A_357 = arith.constant 0 : i32
        %dma_wait3A_358 = tpu.memref_slice %arg11[%dma_wait3A_356, %dma_wait3A_357] : memref<13824x32xf32, #tpu.memory_space<vmem_shared>> -> memref<13824x32xf32, #tpu.memory_space<vmem_shared>>
        tpu.wait_indirect_dma semaphore(%run_scoped3A_340 : memref<!tpu.dma_semaphore, #tpu.memory_space<semaphore_mem>>) src(%dma_wait3A_358 : memref<13824x32xf32, #tpu.memory_space<vmem_shared>>) dst(%dma_wait3A_352 : memref<128x32xf32, #tpu.memory_space<vmem>>)
        tpu.yield
      }) : () -> ()
      %run_scoped3A_184 = arith.constant 2 : i32
      "tpu.region"() ({
        %run_scoped3A_340 = tpu.sem_alloc : memref<!tpu.dma_semaphore, #tpu.memory_space<semaphore_mem>>
        %dma_start3A_341 = arith.constant 256 : i32
        %dma_start3A_342 = arith.constant 0 : i32
        %dma_start3A_343 = tpu.memref_slice %arg18[%dma_start3A_341, %dma_start3A_342] : memref<512x32xf32, #tpu.memory_space<vmem>> -> memref<128x32xf32, #tpu.memory_space<vmem>>
        %dma_start3A_344 = arith.constant 0 : i32
        %dma_start3A_345 = tpu.memref_slice %arg14[%run_scoped3A_184, %dma_start3A_344] : memref<4x128xi32, #tpu.memory_space<vmem>> -> memref<1x128xi32, #tpu.memory_space<vmem>>
        %dma_start3A_346 = tpu.memref_squeeze %dma_start3A_345 : memref<1x128xi32, #tpu.memory_space<vmem>> -> memref<128xi32, #tpu.memory_space<vmem>>
        %dma_start3A_347 = arith.constant 0 : i32
        %dma_start3A_348 = arith.constant 0 : i32
        %dma_start3A_349 = tpu.memref_slice %arg11[%dma_start3A_347, %dma_start3A_348] : memref<13824x32xf32, #tpu.memory_space<vmem_shared>> -> memref<13824x32xf32, #tpu.memory_space<vmem_shared>>
        tpu.enqueue_indirect_dma source(%dma_start3A_349 : memref<13824x32xf32, #tpu.memory_space<vmem_shared>>) target(%dma_start3A_343 : memref<128x32xf32, #tpu.memory_space<vmem>>) offsets(%dma_start3A_346 : memref<128xi32, #tpu.memory_space<vmem>>) semaphore(%run_scoped3A_340 : memref<!tpu.dma_semaphore, #tpu.memory_space<semaphore_mem>>)
        %dma_wait3A_350 = arith.constant 256 : i32
        %dma_wait3A_351 = arith.constant 0 : i32
        %dma_wait3A_352 = tpu.memref_slice %arg18[%dma_wait3A_350, %dma_wait3A_351] : memref<512x32xf32, #tpu.memory_space<vmem>> -> memref<128x32xf32, #tpu.memory_space<vmem>>
        %dma_wait3A_353 = arith.constant 0 : i32
        %dma_wait3A_354 = tpu.memref_slice %arg14[%run_scoped3A_184, %dma_wait3A_353] : memref<4x128xi32, #tpu.memory_space<vmem>> -> memref<1x128xi32, #tpu.memory_space<vmem>>
        %dma_wait3A_355 = tpu.memref_squeeze %dma_wait3A_354 : memref<1x128xi32, #tpu.memory_space<vmem>> -> memref<128xi32, #tpu.memory_space<vmem>>
        %dma_wait3A_356 = arith.constant 0 : i32
        %dma_wait3A_357 = arith.constant 0 : i32
        %dma_wait3A_358 = tpu.memref_slice %arg11[%dma_wait3A_356, %dma_wait3A_357] : memref<13824x32xf32, #tpu.memory_space<vmem_shared>> -> memref<13824x32xf32, #tpu.memory_space<vmem_shared>>
        tpu.wait_indirect_dma semaphore(%run_scoped3A_340 : memref<!tpu.dma_semaphore, #tpu.memory_space<semaphore_mem>>) src(%dma_wait3A_358 : memref<13824x32xf32, #tpu.memory_space<vmem_shared>>) dst(%dma_wait3A_352 : memref<128x32xf32, #tpu.memory_space<vmem>>)
        tpu.yield
      }) : () -> ()
      %run_scoped3A_185 = arith.constant 3 : i32
      "tpu.region"() ({
        %run_scoped3A_340 = tpu.sem_alloc : memref<!tpu.dma_semaphore, #tpu.memory_space<semaphore_mem>>
        %dma_start3A_341 = arith.constant 384 : i32
        %dma_start3A_342 = arith.constant 0 : i32
        %dma_start3A_343 = tpu.memref_slice %arg18[%dma_start3A_341, %dma_start3A_342] : memref<512x32xf32, #tpu.memory_space<vmem>> -> memref<128x32xf32, #tpu.memory_space<vmem>>
        %dma_start3A_344 = arith.constant 0 : i32
        %dma_start3A_345 = tpu.memref_slice %arg14[%run_scoped3A_185, %dma_start3A_344] : memref<4x128xi32, #tpu.memory_space<vmem>> -> memref<1x128xi32, #tpu.memory_space<vmem>>
        %dma_start3A_346 = tpu.memref_squeeze %dma_start3A_345 : memref<1x128xi32, #tpu.memory_space<vmem>> -> memref<128xi32, #tpu.memory_space<vmem>>
        %dma_start3A_347 = arith.constant 0 : i32
        %dma_start3A_348 = arith.constant 0 : i32
        %dma_start3A_349 = tpu.memref_slice %arg11[%dma_start3A_347, %dma_start3A_348] : memref<13824x32xf32, #tpu.memory_space<vmem_shared>> -> memref<13824x32xf32, #tpu.memory_space<vmem_shared>>
        tpu.enqueue_indirect_dma source(%dma_start3A_349 : memref<13824x32xf32, #tpu.memory_space<vmem_shared>>) target(%dma_start3A_343 : memref<128x32xf32, #tpu.memory_space<vmem>>) offsets(%dma_start3A_346 : memref<128xi32, #tpu.memory_space<vmem>>) semaphore(%run_scoped3A_340 : memref<!tpu.dma_semaphore, #tpu.memory_space<semaphore_mem>>)
        %dma_wait3A_350 = arith.constant 384 : i32
        %dma_wait3A_351 = arith.constant 0 : i32
        %dma_wait3A_352 = tpu.memref_slice %arg18[%dma_wait3A_350, %dma_wait3A_351] : memref<512x32xf32, #tpu.memory_space<vmem>> -> memref<128x32xf32, #tpu.memory_space<vmem>>
        %dma_wait3A_353 = arith.constant 0 : i32
        %dma_wait3A_354 = tpu.memref_slice %arg14[%run_scoped3A_185, %dma_wait3A_353] : memref<4x128xi32, #tpu.memory_space<vmem>> -> memref<1x128xi32, #tpu.memory_space<vmem>>
        %dma_wait3A_355 = tpu.memref_squeeze %dma_wait3A_354 : memref<1x128xi32, #tpu.memory_space<vmem>> -> memref<128xi32, #tpu.memory_space<vmem>>
        %dma_wait3A_356 = arith.constant 0 : i32
        %dma_wait3A_357 = arith.constant 0 : i32
        %dma_wait3A_358 = tpu.memref_slice %arg11[%dma_wait3A_356, %dma_wait3A_357] : memref<13824x32xf32, #tpu.memory_space<vmem_shared>> -> memref<13824x32xf32, #tpu.memory_space<vmem_shared>>
        tpu.wait_indirect_dma semaphore(%run_scoped3A_340 : memref<!tpu.dma_semaphore, #tpu.memory_space<semaphore_mem>>) src(%dma_wait3A_358 : memref<13824x32xf32, #tpu.memory_space<vmem_shared>>) dst(%dma_wait3A_352 : memref<128x32xf32, #tpu.memory_space<vmem>>)
        tpu.yield
      }) : () -> ()
      %dma_wait3A_186 = arith.constant 0 : i32
      %dma_wait3A_187 = arith.constant 0 : i32
      %dma_wait3A_188 = arith.constant 0 : i32
      %dma_wait3A_189 = tpu.memref_slice %arg16[%dma_wait3A_187, %dma_wait3A_188] : memref<512x32xf32, #tpu.memory_space<vmem>> -> memref<128x32xf32, #tpu.memory_space<vmem>>
      %dma_wait3A_190 = arith.constant 0 : i32
      %dma_wait3A_191 = tpu.memref_slice %arg12[%dma_wait3A_186, %dma_wait3A_190] : memref<4x128xi32, #tpu.memory_space<vmem>> -> memref<1x128xi32, #tpu.memory_space<vmem>>
      %dma_wait3A_192 = tpu.memref_squeeze %dma_wait3A_191 : memref<1x128xi32, #tpu.memory_space<vmem>> -> memref<128xi32, #tpu.memory_space<vmem>>
      %dma_wait3A_193 = arith.constant 0 : i32
      %dma_wait3A_194 = arith.constant 0 : i32
      %dma_wait3A_195 = tpu.memref_slice %arg4[%dma_wait3A_193, %dma_wait3A_194] : memref<1000000x32xf32, #tpu.memory_space<hbm>> -> memref<1000000x32xf32, #tpu.memory_space<hbm>>
      tpu.wait_indirect_dma semaphore(%arg21 : memref<!tpu.dma_semaphore, #tpu.memory_space<semaphore_mem>>) src(%dma_wait3A_195 : memref<1000000x32xf32, #tpu.memory_space<hbm>>) dst(%dma_wait3A_189 : memref<128x32xf32, #tpu.memory_space<vmem>>)
      %dma_wait3A_196 = arith.constant 1 : i32
      %dma_wait3A_197 = arith.constant 128 : i32
      %dma_wait3A_198 = arith.constant 0 : i32
      %dma_wait3A_199 = tpu.memref_slice %arg16[%dma_wait3A_197, %dma_wait3A_198] : memref<512x32xf32, #tpu.memory_space<vmem>> -> memref<128x32xf32, #tpu.memory_space<vmem>>
      %dma_wait3A_200 = arith.constant 0 : i32
      %dma_wait3A_201 = tpu.memref_slice %arg12[%dma_wait3A_196, %dma_wait3A_200] : memref<4x128xi32, #tpu.memory_space<vmem>> -> memref<1x128xi32, #tpu.memory_space<vmem>>
      %dma_wait3A_202 = tpu.memref_squeeze %dma_wait3A_201 : memref<1x128xi32, #tpu.memory_space<vmem>> -> memref<128xi32, #tpu.memory_space<vmem>>
      %dma_wait3A_203 = arith.constant 0 : i32
      %dma_wait3A_204 = arith.constant 0 : i32
      %dma_wait3A_205 = tpu.memref_slice %arg4[%dma_wait3A_203, %dma_wait3A_204] : memref<1000000x32xf32, #tpu.memory_space<hbm>> -> memref<1000000x32xf32, #tpu.memory_space<hbm>>
      tpu.wait_indirect_dma semaphore(%arg21 : memref<!tpu.dma_semaphore, #tpu.memory_space<semaphore_mem>>) src(%dma_wait3A_205 : memref<1000000x32xf32, #tpu.memory_space<hbm>>) dst(%dma_wait3A_199 : memref<128x32xf32, #tpu.memory_space<vmem>>)
      %dma_wait3A_206 = arith.constant 2 : i32
      %dma_wait3A_207 = arith.constant 256 : i32
      %dma_wait3A_208 = arith.constant 0 : i32
      %dma_wait3A_209 = tpu.memref_slice %arg16[%dma_wait3A_207, %dma_wait3A_208] : memref<512x32xf32, #tpu.memory_space<vmem>> -> memref<128x32xf32, #tpu.memory_space<vmem>>
      %dma_wait3A_210 = arith.constant 0 : i32
      %dma_wait3A_211 = tpu.memref_slice %arg12[%dma_wait3A_206, %dma_wait3A_210] : memref<4x128xi32, #tpu.memory_space<vmem>> -> memref<1x128xi32, #tpu.memory_space<vmem>>
      %dma_wait3A_212 = tpu.memref_squeeze %dma_wait3A_211 : memref<1x128xi32, #tpu.memory_space<vmem>> -> memref<128xi32, #tpu.memory_space<vmem>>
      %dma_wait3A_213 = arith.constant 0 : i32
      %dma_wait3A_214 = arith.constant 0 : i32
      %dma_wait3A_215 = tpu.memref_slice %arg4[%dma_wait3A_213, %dma_wait3A_214] : memref<1000000x32xf32, #tpu.memory_space<hbm>> -> memref<1000000x32xf32, #tpu.memory_space<hbm>>
      tpu.wait_indirect_dma semaphore(%arg21 : memref<!tpu.dma_semaphore, #tpu.memory_space<semaphore_mem>>) src(%dma_wait3A_215 : memref<1000000x32xf32, #tpu.memory_space<hbm>>) dst(%dma_wait3A_209 : memref<128x32xf32, #tpu.memory_space<vmem>>)
      %dma_wait3A_216 = arith.constant 3 : i32
      %dma_wait3A_217 = arith.constant 384 : i32
      %dma_wait3A_218 = arith.constant 0 : i32
      %dma_wait3A_219 = tpu.memref_slice %arg16[%dma_wait3A_217, %dma_wait3A_218] : memref<512x32xf32, #tpu.memory_space<vmem>> -> memref<128x32xf32, #tpu.memory_space<vmem>>
      %dma_wait3A_220 = arith.constant 0 : i32
      %dma_wait3A_221 = tpu.memref_slice %arg12[%dma_wait3A_216, %dma_wait3A_220] : memref<4x128xi32, #tpu.memory_space<vmem>> -> memref<1x128xi32, #tpu.memory_space<vmem>>
      %dma_wait3A_222 = tpu.memref_squeeze %dma_wait3A_221 : memref<1x128xi32, #tpu.memory_space<vmem>> -> memref<128xi32, #tpu.memory_space<vmem>>
      %dma_wait3A_223 = arith.constant 0 : i32
      %dma_wait3A_224 = arith.constant 0 : i32
      %dma_wait3A_225 = tpu.memref_slice %arg4[%dma_wait3A_223, %dma_wait3A_224] : memref<1000000x32xf32, #tpu.memory_space<hbm>> -> memref<1000000x32xf32, #tpu.memory_space<hbm>>
      tpu.wait_indirect_dma semaphore(%arg21 : memref<!tpu.dma_semaphore, #tpu.memory_space<semaphore_mem>>) src(%dma_wait3A_225 : memref<1000000x32xf32, #tpu.memory_space<hbm>>) dst(%dma_wait3A_219 : memref<128x32xf32, #tpu.memory_space<vmem>>)
      %parallel_loop3A_226 = arith.constant 0 : i32
      %parallel_loop3A_227 = arith.constant 512 : i32
      %parallel_loop3A_228 = arith.constant 1 : i32
      scf.for %parallel_loop3A_340 = %parallel_loop3A_226 to %parallel_loop3A_227 step %parallel_loop3A_228  : i32 {
        %parallel_loop3A_341 = arith.constant 4 : i32
        %parallel_loop3A_342 = arith.divsi %parallel_loop3A_340, %parallel_loop3A_341 : i32
        %parallel_loop3A_343 = arith.constant 0 : i32
        %parallel_loop3A_344 = arith.cmpi sgt, %parallel_loop3A_340, %parallel_loop3A_343 : i32
        %parallel_loop3A_345 = arith.extui %parallel_loop3A_344 : i1 to i32
        %parallel_loop3A_346 = arith.constant 0 : i32
        %parallel_loop3A_347 = arith.cmpi slt, %parallel_loop3A_340, %parallel_loop3A_346 : i32
        %parallel_loop3A_348 = arith.extui %parallel_loop3A_347 : i1 to i32
        %parallel_loop3A_349 = arith.subi %parallel_loop3A_345, %parallel_loop3A_348 : i32
        %parallel_loop3A_350 = arith.constant 0 : i32
        %parallel_loop3A_351 = arith.cmpi sgt, %parallel_loop3A_341, %parallel_loop3A_350 : i32
        %parallel_loop3A_352 = arith.extui %parallel_loop3A_351 : i1 to i32
        %parallel_loop3A_353 = arith.constant 0 : i32
        %parallel_loop3A_354 = arith.cmpi slt, %parallel_loop3A_341, %parallel_loop3A_353 : i32
        %parallel_loop3A_355 = arith.extui %parallel_loop3A_354 : i1 to i32
        %parallel_loop3A_356 = arith.subi %parallel_loop3A_352, %parallel_loop3A_355 : i32
        %parallel_loop3A_357 = arith.cmpi ne, %parallel_loop3A_349, %parallel_loop3A_356 : i32
        %parallel_loop3A_358 = arith.remsi %parallel_loop3A_340, %parallel_loop3A_341 : i32
        %parallel_loop3A_359 = arith.constant 0 : i32
        %parallel_loop3A_360 = arith.cmpi ne, %parallel_loop3A_358, %parallel_loop3A_359 : i32
        %parallel_loop3A_361 = arith.andi %parallel_loop3A_357, %parallel_loop3A_360 : i1
        %parallel_loop3A_362 = arith.constant 1 : i32
        %parallel_loop3A_363 = arith.subi %parallel_loop3A_342, %parallel_loop3A_362 : i32
        %parallel_loop3A_364 = arith.select %parallel_loop3A_361, %parallel_loop3A_363, %parallel_loop3A_342 : i32
        %parallel_loop3A_365 = arith.constant 4 : i32
        %parallel_loop3A_366 = arith.constant 0 : i32
        %parallel_loop3A_367 = arith.cmpi eq, %parallel_loop3A_365, %parallel_loop3A_366 : i32
        %parallel_loop3A_368 = arith.constant 1 : i32
        %parallel_loop3A_369 = arith.select %parallel_loop3A_367, %parallel_loop3A_368, %parallel_loop3A_365 : i32
        %parallel_loop3A_370 = arith.remsi %parallel_loop3A_340, %parallel_loop3A_369 : i32
        %parallel_loop3A_371 = arith.constant 0 : i32
        %parallel_loop3A_372 = arith.cmpi ne, %parallel_loop3A_370, %parallel_loop3A_371 : i32
        %parallel_loop3A_373 = arith.constant 0 : i32
        %parallel_loop3A_374 = arith.cmpi slt, %parallel_loop3A_370, %parallel_loop3A_373 : i32
        %parallel_loop3A_375 = arith.constant 0 : i32
        %parallel_loop3A_376 = arith.cmpi slt, %parallel_loop3A_369, %parallel_loop3A_375 : i32
        %parallel_loop3A_377 = arith.xori %parallel_loop3A_374, %parallel_loop3A_376 : i1
        %parallel_loop3A_378 = arith.andi %parallel_loop3A_377, %parallel_loop3A_372 : i1
        %parallel_loop3A_379 = arith.addi %parallel_loop3A_370, %parallel_loop3A_369 : i32
        %parallel_loop3A_380 = arith.select %parallel_loop3A_378, %parallel_loop3A_379, %parallel_loop3A_370 : i32
        %parallel_loop3A_381 = arith.constant 32 : i32
        %parallel_loop3A_382 = arith.muli %parallel_loop3A_380, %parallel_loop3A_381 : i32
        %parallel_loop3A_383 = arith.index_cast %parallel_loop3A_340 : i32 to index
        %parallel_loop3A_384 = arith.constant 0 : index
        %parallel_loop3A_385 = tpu.vector_load %arg16[%parallel_loop3A_383, %parallel_loop3A_384] {strides = array<i32>} : memref<512x32xf32, #tpu.memory_space<vmem>>, vector<1x16xf32>,
        %parallel_loop3A_386 = vector.shape_cast %parallel_loop3A_385 : vector<1x16xf32> to vector<16xf32>
        %parallel_loop3A_387 = arith.index_cast %parallel_loop3A_340 : i32 to index
        %parallel_loop3A_388 = arith.constant 0 : index
        %parallel_loop3A_389 = tpu.vector_load %arg18[%parallel_loop3A_387, %parallel_loop3A_388] {strides = array<i32>} : memref<512x32xf32, #tpu.memory_space<vmem>>, vector<1x16xf32>,
        %parallel_loop3A_390 = vector.shape_cast %parallel_loop3A_389 : vector<1x16xf32> to vector<16xf32>
        %parallel_loop3A_391 = arith.addf %parallel_loop3A_386, %parallel_loop3A_390 : vector<16xf32>
        %parallel_loop3A_392 = arith.constant 0 : i32
        %parallel_loop3A_393 = arith.addi %parallel_loop3A_382, %parallel_loop3A_392 : i32
        %parallel_loop3A_394 = arith.index_cast %parallel_loop3A_364 : i32 to index
        %parallel_loop3A_395 = arith.index_cast %parallel_loop3A_393 : i32 to index
        %parallel_loop3A_396 = tpu.vector_load %arg19[%parallel_loop3A_394, %parallel_loop3A_395] {strides = array<i32>} : memref<128x128xf32, #tpu.memory_space<vmem>>, vector<1x16xf32>,
        %parallel_loop3A_397 = vector.shape_cast %parallel_loop3A_396 : vector<1x16xf32> to vector<16xf32>
        %parallel_loop3A_398 = vector.shape_cast %parallel_loop3A_391 : vector<16xf32> to vector<1x16xf32>
        tpu.vector_store %arg19[%parallel_loop3A_394, %parallel_loop3A_395], %parallel_loop3A_398 {strides = array<i32>} : memref<128x128xf32, #tpu.memory_space<vmem>>, vector<1x16xf32>,
        %parallel_loop3A_399 = arith.index_cast %parallel_loop3A_340 : i32 to index
        %parallel_loop3A_400 = arith.constant 16 : index
        %parallel_loop3A_401 = tpu.vector_load %arg16[%parallel_loop3A_399, %parallel_loop3A_400] {strides = array<i32>} : memref<512x32xf32, #tpu.memory_space<vmem>>, vector<1x16xf32>,
        %parallel_loop3A_402 = vector.shape_cast %parallel_loop3A_401 : vector<1x16xf32> to vector<16xf32>
        %parallel_loop3A_403 = arith.index_cast %parallel_loop3A_340 : i32 to index
        %parallel_loop3A_404 = arith.constant 16 : index
        %parallel_loop3A_405 = tpu.vector_load %arg18[%parallel_loop3A_403, %parallel_loop3A_404] {strides = array<i32>} : memref<512x32xf32, #tpu.memory_space<vmem>>, vector<1x16xf32>,
        %parallel_loop3A_406 = vector.shape_cast %parallel_loop3A_405 : vector<1x16xf32> to vector<16xf32>
        %parallel_loop3A_407 = arith.addf %parallel_loop3A_402, %parallel_loop3A_406 : vector<16xf32>
        %parallel_loop3A_408 = arith.constant 16 : i32
        %parallel_loop3A_409 = arith.addi %parallel_loop3A_382, %parallel_loop3A_408 : i32
        %parallel_loop3A_410 = arith.index_cast %parallel_loop3A_364 : i32 to index
        %parallel_loop3A_411 = arith.index_cast %parallel_loop3A_409 : i32 to index
        %parallel_loop3A_412 = tpu.vector_load %arg19[%parallel_loop3A_410, %parallel_loop3A_411] {strides = array<i32>} : memref<128x128xf32, #tpu.memory_space<vmem>>, vector<1x16xf32>,
        %parallel_loop3A_413 = vector.shape_cast %parallel_loop3A_412 : vector<1x16xf32> to vector<16xf32>
        %parallel_loop3A_414 = vector.shape_cast %parallel_loop3A_407 : vector<16xf32> to vector<1x16xf32>
        tpu.vector_store %arg19[%parallel_loop3A_410, %parallel_loop3A_411], %parallel_loop3A_414 {strides = array<i32>} : memref<128x128xf32, #tpu.memory_space<vmem>>, vector<1x16xf32>,
      } {sc.loop_unroll_factor = 4 : i64, sc.parallel_access}
      %mul3A_229 = arith.constant 4 : i32
      %mul3A_230 = arith.muli %mul3A_135, %mul3A_229 : i32
      %add3A_231 = arith.addi %mul3A_2, %mul3A_230 : i32
      %mul3A_232 = arith.constant 128 : i32
      %mul3A_233 = arith.muli %add3A_231, %mul3A_232 : i32
      %jit3A = arith.constant 4 : i32
      %div3A = arith.divsi %mul3A_233, %jit3A : i32
      %sign3A = arith.constant 0 : i32
      %sign3A_234 = arith.cmpi sgt, %mul3A_233, %sign3A : i32
      %sign3A_235 = arith.extui %sign3A_234 : i1 to i32
      %sign3A_236 = arith.constant 0 : i32
      %sign3A_237 = arith.cmpi slt, %mul3A_233, %sign3A_236 : i32
      %sign3A_238 = arith.extui %sign3A_237 : i1 to i32
      %sign3A_239 = arith.subi %sign3A_235, %sign3A_238 : i32
      %sign3A_240 = arith.constant 0 : i32
      %sign3A_241 = arith.cmpi sgt, %jit3A, %sign3A_240 : i32
      %sign3A_242 = arith.extui %sign3A_241 : i1 to i32
      %sign3A_243 = arith.constant 0 : i32
      %sign3A_244 = arith.cmpi slt, %jit3A, %sign3A_243 : i32
      %sign3A_245 = arith.extui %sign3A_244 : i1 to i32
      %sign3A_246 = arith.subi %sign3A_242, %sign3A_245 : i32
      %ne3A = arith.cmpi ne, %sign3A_239, %sign3A_246 : i32
      %rem3A = arith.remsi %mul3A_233, %jit3A : i32
      %ne3A_247 = arith.constant 0 : i32
      %ne3A_248 = arith.cmpi ne, %rem3A, %ne3A_247 : i32
      %and3A = arith.andi %ne3A, %ne3A_248 : i1
      %sub3A = arith.constant 1 : i32
      %sub3A_249 = arith.subi %div3A, %sub3A : i32
      %select_n3A = arith.select %and3A, %sub3A_249, %div3A : i32
      %dma_start3A_250 = arith.constant 0 : i32
      %dma_start3A_251 = tpu.memref_slice %arg7[%select_n3A, %dma_start3A_250] : memref<204800x128xf32, #tpu.memory_space<hbm>> -> memref<128x128xf32, #tpu.memory_space<hbm>>
      %dma_start3A_252 = arith.constant 0 : i32
      %dma_start3A_253 = tpu.memref_slice %arg7[%select_n3A, %dma_start3A_252] : memref<204800x128xf32, #tpu.memory_space<hbm>> -> memref<128x128xf32, #tpu.memory_space<hbm>>
      tpu.enqueue_dma source(%arg19 : memref<128x128xf32, #tpu.memory_space<vmem>>) target(%dma_start3A_253 : memref<128x128xf32, #tpu.memory_space<hbm>>) target_semaphore(%arg23 : memref<!tpu.dma_semaphore, #tpu.memory_space<semaphore_mem>>)
      %lt3A = arith.constant 24 : i32
      %lt3A_254 = arith.cmpi slt, %scan3A_133, %lt3A : i32
      %convert_element_type3A_255 = arith.extui %lt3A_254 : i1 to i32
      %cond3A_256 = arith.constant 0 : i32
      %cond3A_257 = arith.cmpi ne, %convert_element_type3A_255, %cond3A_256 : i32
      scf.if %cond3A_257 {
        %dma_wait3A_340 = arith.constant 0 : i32
        %dma_wait3A_341 = arith.constant 0 : i32
        %dma_wait3A_342 = tpu.memref_slice %arg7[%dma_wait3A_340, %dma_wait3A_341] : memref<204800x128xf32, #tpu.memory_space<hbm>> -> memref<128x128xf32, #tpu.memory_space<hbm>>
        %dma_wait3A_343 = arith.constant 0 : i32
        %dma_wait3A_344 = arith.constant 0 : i32
        %dma_wait3A_345 = tpu.memref_slice %arg7[%dma_wait3A_343, %dma_wait3A_344] : memref<204800x128xf32, #tpu.memory_space<hbm>> -> memref<128x128xf32, #tpu.memory_space<hbm>>
        tpu.wait_dma2 semaphore(%arg23 : memref<!tpu.dma_semaphore, #tpu.memory_space<semaphore_mem>>) src(%arg19 : memref<128x128xf32, #tpu.memory_space<vmem>>) dst(%dma_wait3A_345 : memref<128x128xf32, #tpu.memory_space<hbm>>)
        %add3A_346 = arith.constant 2 : i32
        %add3A_347 = arith.addi %mul3A_135, %add3A_346 : i32
        %mul3A_348 = arith.constant 4 : i32
        %mul3A_349 = arith.muli %add3A_347, %mul3A_348 : i32
        %add3A_350 = arith.addi %mul3A_2, %mul3A_349 : i32
        "tpu.region"() ({
          %run_scoped3A_391 = tpu.sem_alloc : memref<!tpu.dma_semaphore, #tpu.memory_space<semaphore_mem>>
          %dma_start3A_392 = arith.constant 0 : i32
          %dma_start3A_393 = tpu.memref_slice %arg2[%add3A_350, %dma_start3A_392] : memref<6400x128xi32, #tpu.memory_space<hbm>> -> memref<4x128xi32, #tpu.memory_space<hbm>>
          %dma_start3A_394 = arith.constant 0 : i32
          %dma_start3A_395 = tpu.memref_slice %arg2[%add3A_350, %dma_start3A_394] : memref<6400x128xi32, #tpu.memory_space<hbm>> -> memref<4x128xi32, #tpu.memory_space<hbm>>
          tpu.enqueue_dma source(%dma_start3A_395 : memref<4x128xi32, #tpu.memory_space<hbm>>) target(%arg12 : memref<4x128xi32, #tpu.memory_space<vmem>>) target_semaphore(%run_scoped3A_391 : memref<!tpu.dma_semaphore, #tpu.memory_space<semaphore_mem>>)
          %dma_wait3A_396 = arith.constant 0 : i32
          %dma_wait3A_397 = tpu.memref_slice %arg2[%add3A_350, %dma_wait3A_396] : memref<6400x128xi32, #tpu.memory_space<hbm>> -> memref<4x128xi32, #tpu.memory_space<hbm>>
          %dma_wait3A_398 = arith.constant 0 : i32
          %dma_wait3A_399 = tpu.memref_slice %arg2[%add3A_350, %dma_wait3A_398] : memref<6400x128xi32, #tpu.memory_space<hbm>> -> memref<4x128xi32, #tpu.memory_space<hbm>>
          tpu.wait_dma2 semaphore(%run_scoped3A_391 : memref<!tpu.dma_semaphore, #tpu.memory_space<semaphore_mem>>) src(%dma_wait3A_399 : memref<4x128xi32, #tpu.memory_space<hbm>>) dst(%arg12 : memref<4x128xi32, #tpu.memory_space<vmem>>)
          tpu.yield
        }) : () -> ()
        "tpu.region"() ({
          %run_scoped3A_391 = tpu.sem_alloc : memref<!tpu.dma_semaphore, #tpu.memory_space<semaphore_mem>>
          %dma_start3A_392 = arith.constant 0 : i32
          %dma_start3A_393 = tpu.memref_slice %arg3[%add3A_350, %dma_start3A_392] : memref<6400x128xi32, #tpu.memory_space<hbm>> -> memref<4x128xi32, #tpu.memory_space<hbm>>
          %dma_start3A_394 = arith.constant 0 : i32
          %dma_start3A_395 = tpu.memref_slice %arg3[%add3A_350, %dma_start3A_394] : memref<6400x128xi32, #tpu.memory_space<hbm>> -> memref<4x128xi32, #tpu.memory_space<hbm>>
          tpu.enqueue_dma source(%dma_start3A_395 : memref<4x128xi32, #tpu.memory_space<hbm>>) target(%arg14 : memref<4x128xi32, #tpu.memory_space<vmem>>) target_semaphore(%run_scoped3A_391 : memref<!tpu.dma_semaphore, #tpu.memory_space<semaphore_mem>>)
          %dma_wait3A_396 = arith.constant 0 : i32
          %dma_wait3A_397 = tpu.memref_slice %arg3[%add3A_350, %dma_wait3A_396] : memref<6400x128xi32, #tpu.memory_space<hbm>> -> memref<4x128xi32, #tpu.memory_space<hbm>>
          %dma_wait3A_398 = arith.constant 0 : i32
          %dma_wait3A_399 = tpu.memref_slice %arg3[%add3A_350, %dma_wait3A_398] : memref<6400x128xi32, #tpu.memory_space<hbm>> -> memref<4x128xi32, #tpu.memory_space<hbm>>
          tpu.wait_dma2 semaphore(%run_scoped3A_391 : memref<!tpu.dma_semaphore, #tpu.memory_space<semaphore_mem>>) src(%dma_wait3A_399 : memref<4x128xi32, #tpu.memory_space<hbm>>) dst(%arg14 : memref<4x128xi32, #tpu.memory_space<vmem>>)
          tpu.yield
        }) : () -> ()
        %dma_start3A_351 = arith.constant 0 : i32
        %dma_start3A_352 = arith.constant 0 : i32
        %dma_start3A_353 = arith.constant 0 : i32
        %dma_start3A_354 = tpu.memref_slice %arg16[%dma_start3A_352, %dma_start3A_353] : memref<512x32xf32, #tpu.memory_space<vmem>> -> memref<128x32xf32, #tpu.memory_space<vmem>>
        %dma_start3A_355 = arith.constant 0 : i32
        %dma_start3A_356 = tpu.memref_slice %arg12[%dma_start3A_351, %dma_start3A_355] : memref<4x128xi32, #tpu.memory_space<vmem>> -> memref<1x128xi32, #tpu.memory_space<vmem>>
        %dma_start3A_357 = tpu.memref_squeeze %dma_start3A_356 : memref<1x128xi32, #tpu.memory_space<vmem>> -> memref<128xi32, #tpu.memory_space<vmem>>
        %dma_start3A_358 = arith.constant 0 : i32
        %dma_start3A_359 = arith.constant 0 : i32
        %dma_start3A_360 = tpu.memref_slice %arg4[%dma_start3A_358, %dma_start3A_359] : memref<1000000x32xf32, #tpu.memory_space<hbm>> -> memref<1000000x32xf32, #tpu.memory_space<hbm>>
        tpu.enqueue_indirect_dma source(%dma_start3A_360 : memref<1000000x32xf32, #tpu.memory_space<hbm>>) target(%dma_start3A_354 : memref<128x32xf32, #tpu.memory_space<vmem>>) offsets(%dma_start3A_357 : memref<128xi32, #tpu.memory_space<vmem>>) semaphore(%arg21 : memref<!tpu.dma_semaphore, #tpu.memory_space<semaphore_mem>>)
        %dma_start3A_361 = arith.constant 1 : i32
        %dma_start3A_362 = arith.constant 128 : i32
        %dma_start3A_363 = arith.constant 0 : i32
        %dma_start3A_364 = tpu.memref_slice %arg16[%dma_start3A_362, %dma_start3A_363] : memref<512x32xf32, #tpu.memory_space<vmem>> -> memref<128x32xf32, #tpu.memory_space<vmem>>
        %dma_start3A_365 = arith.constant 0 : i32
        %dma_start3A_366 = tpu.memref_slice %arg12[%dma_start3A_361, %dma_start3A_365] : memref<4x128xi32, #tpu.memory_space<vmem>> -> memref<1x128xi32, #tpu.memory_space<vmem>>
        %dma_start3A_367 = tpu.memref_squeeze %dma_start3A_366 : memref<1x128xi32, #tpu.memory_space<vmem>> -> memref<128xi32, #tpu.memory_space<vmem>>
        %dma_start3A_368 = arith.constant 0 : i32
        %dma_start3A_369 = arith.constant 0 : i32
        %dma_start3A_370 = tpu.memref_slice %arg4[%dma_start3A_368, %dma_start3A_369] : memref<1000000x32xf32, #tpu.memory_space<hbm>> -> memref<1000000x32xf32, #tpu.memory_space<hbm>>
        tpu.enqueue_indirect_dma source(%dma_start3A_370 : memref<1000000x32xf32, #tpu.memory_space<hbm>>) target(%dma_start3A_364 : memref<128x32xf32, #tpu.memory_space<vmem>>) offsets(%dma_start3A_367 : memref<128xi32, #tpu.memory_space<vmem>>) semaphore(%arg21 : memref<!tpu.dma_semaphore, #tpu.memory_space<semaphore_mem>>)
        %dma_start3A_371 = arith.constant 2 : i32
        %dma_start3A_372 = arith.constant 256 : i32
        %dma_start3A_373 = arith.constant 0 : i32
        %dma_start3A_374 = tpu.memref_slice %arg16[%dma_start3A_372, %dma_start3A_373] : memref<512x32xf32, #tpu.memory_space<vmem>> -> memref<128x32xf32, #tpu.memory_space<vmem>>
        %dma_start3A_375 = arith.constant 0 : i32
        %dma_start3A_376 = tpu.memref_slice %arg12[%dma_start3A_371, %dma_start3A_375] : memref<4x128xi32, #tpu.memory_space<vmem>> -> memref<1x128xi32, #tpu.memory_space<vmem>>
        %dma_start3A_377 = tpu.memref_squeeze %dma_start3A_376 : memref<1x128xi32, #tpu.memory_space<vmem>> -> memref<128xi32, #tpu.memory_space<vmem>>
        %dma_start3A_378 = arith.constant 0 : i32
        %dma_start3A_379 = arith.constant 0 : i32
        %dma_start3A_380 = tpu.memref_slice %arg4[%dma_start3A_378, %dma_start3A_379] : memref<1000000x32xf32, #tpu.memory_space<hbm>> -> memref<1000000x32xf32, #tpu.memory_space<hbm>>
        tpu.enqueue_indirect_dma source(%dma_start3A_380 : memref<1000000x32xf32, #tpu.memory_space<hbm>>) target(%dma_start3A_374 : memref<128x32xf32, #tpu.memory_space<vmem>>) offsets(%dma_start3A_377 : memref<128xi32, #tpu.memory_space<vmem>>) semaphore(%arg21 : memref<!tpu.dma_semaphore, #tpu.memory_space<semaphore_mem>>)
        %dma_start3A_381 = arith.constant 3 : i32
        %dma_start3A_382 = arith.constant 384 : i32
        %dma_start3A_383 = arith.constant 0 : i32
        %dma_start3A_384 = tpu.memref_slice %arg16[%dma_start3A_382, %dma_start3A_383] : memref<512x32xf32, #tpu.memory_space<vmem>> -> memref<128x32xf32, #tpu.memory_space<vmem>>
        %dma_start3A_385 = arith.constant 0 : i32
        %dma_start3A_386 = tpu.memref_slice %arg12[%dma_start3A_381, %dma_start3A_385] : memref<4x128xi32, #tpu.memory_space<vmem>> -> memref<1x128xi32, #tpu.memory_space<vmem>>
        %dma_start3A_387 = tpu.memref_squeeze %dma_start3A_386 : memref<1x128xi32, #tpu.memory_space<vmem>> -> memref<128xi32, #tpu.memory_space<vmem>>
        %dma_start3A_388 = arith.constant 0 : i32
        %dma_start3A_389 = arith.constant 0 : i32
        %dma_start3A_390 = tpu.memref_slice %arg4[%dma_start3A_388, %dma_start3A_389] : memref<1000000x32xf32, #tpu.memory_space<hbm>> -> memref<1000000x32xf32, #tpu.memory_space<hbm>>
        tpu.enqueue_indirect_dma source(%dma_start3A_390 : memref<1000000x32xf32, #tpu.memory_space<hbm>>) target(%dma_start3A_384 : memref<128x32xf32, #tpu.memory_space<vmem>>) offsets(%dma_start3A_387 : memref<128xi32, #tpu.memory_space<vmem>>) semaphore(%arg21 : memref<!tpu.dma_semaphore, #tpu.memory_space<semaphore_mem>>)
      } else {
      }
      %run_scoped3A_258 = arith.constant 0 : i32
      "tpu.region"() ({
        %run_scoped3A_340 = tpu.sem_alloc : memref<!tpu.dma_semaphore, #tpu.memory_space<semaphore_mem>>
        %dma_start3A_341 = arith.constant 0 : i32
        %dma_start3A_342 = arith.constant 0 : i32
        %dma_start3A_343 = tpu.memref_slice %arg18[%dma_start3A_341, %dma_start3A_342] : memref<512x32xf32, #tpu.memory_space<vmem>> -> memref<128x32xf32, #tpu.memory_space<vmem>>
        %dma_start3A_344 = arith.constant 0 : i32
        %dma_start3A_345 = tpu.memref_slice %arg15[%run_scoped3A_258, %dma_start3A_344] : memref<4x128xi32, #tpu.memory_space<vmem>> -> memref<1x128xi32, #tpu.memory_space<vmem>>
        %dma_start3A_346 = tpu.memref_squeeze %dma_start3A_345 : memref<1x128xi32, #tpu.memory_space<vmem>> -> memref<128xi32, #tpu.memory_space<vmem>>
        %dma_start3A_347 = arith.constant 0 : i32
        %dma_start3A_348 = arith.constant 0 : i32
        %dma_start3A_349 = tpu.memref_slice %arg11[%dma_start3A_347, %dma_start3A_348] : memref<13824x32xf32, #tpu.memory_space<vmem_shared>> -> memref<13824x32xf32, #tpu.memory_space<vmem_shared>>
        tpu.enqueue_indirect_dma source(%dma_start3A_349 : memref<13824x32xf32, #tpu.memory_space<vmem_shared>>) target(%dma_start3A_343 : memref<128x32xf32, #tpu.memory_space<vmem>>) offsets(%dma_start3A_346 : memref<128xi32, #tpu.memory_space<vmem>>) semaphore(%run_scoped3A_340 : memref<!tpu.dma_semaphore, #tpu.memory_space<semaphore_mem>>)
        %dma_wait3A_350 = arith.constant 0 : i32
        %dma_wait3A_351 = arith.constant 0 : i32
        %dma_wait3A_352 = tpu.memref_slice %arg18[%dma_wait3A_350, %dma_wait3A_351] : memref<512x32xf32, #tpu.memory_space<vmem>> -> memref<128x32xf32, #tpu.memory_space<vmem>>
        %dma_wait3A_353 = arith.constant 0 : i32
        %dma_wait3A_354 = tpu.memref_slice %arg15[%run_scoped3A_258, %dma_wait3A_353] : memref<4x128xi32, #tpu.memory_space<vmem>> -> memref<1x128xi32, #tpu.memory_space<vmem>>
        %dma_wait3A_355 = tpu.memref_squeeze %dma_wait3A_354 : memref<1x128xi32, #tpu.memory_space<vmem>> -> memref<128xi32, #tpu.memory_space<vmem>>
        %dma_wait3A_356 = arith.constant 0 : i32
        %dma_wait3A_357 = arith.constant 0 : i32
        %dma_wait3A_358 = tpu.memref_slice %arg11[%dma_wait3A_356, %dma_wait3A_357] : memref<13824x32xf32, #tpu.memory_space<vmem_shared>> -> memref<13824x32xf32, #tpu.memory_space<vmem_shared>>
        tpu.wait_indirect_dma semaphore(%run_scoped3A_340 : memref<!tpu.dma_semaphore, #tpu.memory_space<semaphore_mem>>) src(%dma_wait3A_358 : memref<13824x32xf32, #tpu.memory_space<vmem_shared>>) dst(%dma_wait3A_352 : memref<128x32xf32, #tpu.memory_space<vmem>>)
        tpu.yield
      }) : () -> ()
      %run_scoped3A_259 = arith.constant 1 : i32
      "tpu.region"() ({
        %run_scoped3A_340 = tpu.sem_alloc : memref<!tpu.dma_semaphore, #tpu.memory_space<semaphore_mem>>
        %dma_start3A_341 = arith.constant 128 : i32
        %dma_start3A_342 = arith.constant 0 : i32
        %dma_start3A_343 = tpu.memref_slice %arg18[%dma_start3A_341, %dma_start3A_342] : memref<512x32xf32, #tpu.memory_space<vmem>> -> memref<128x32xf32, #tpu.memory_space<vmem>>
        %dma_start3A_344 = arith.constant 0 : i32
        %dma_start3A_345 = tpu.memref_slice %arg15[%run_scoped3A_259, %dma_start3A_344] : memref<4x128xi32, #tpu.memory_space<vmem>> -> memref<1x128xi32, #tpu.memory_space<vmem>>
        %dma_start3A_346 = tpu.memref_squeeze %dma_start3A_345 : memref<1x128xi32, #tpu.memory_space<vmem>> -> memref<128xi32, #tpu.memory_space<vmem>>
        %dma_start3A_347 = arith.constant 0 : i32
        %dma_start3A_348 = arith.constant 0 : i32
        %dma_start3A_349 = tpu.memref_slice %arg11[%dma_start3A_347, %dma_start3A_348] : memref<13824x32xf32, #tpu.memory_space<vmem_shared>> -> memref<13824x32xf32, #tpu.memory_space<vmem_shared>>
        tpu.enqueue_indirect_dma source(%dma_start3A_349 : memref<13824x32xf32, #tpu.memory_space<vmem_shared>>) target(%dma_start3A_343 : memref<128x32xf32, #tpu.memory_space<vmem>>) offsets(%dma_start3A_346 : memref<128xi32, #tpu.memory_space<vmem>>) semaphore(%run_scoped3A_340 : memref<!tpu.dma_semaphore, #tpu.memory_space<semaphore_mem>>)
        %dma_wait3A_350 = arith.constant 128 : i32
        %dma_wait3A_351 = arith.constant 0 : i32
        %dma_wait3A_352 = tpu.memref_slice %arg18[%dma_wait3A_350, %dma_wait3A_351] : memref<512x32xf32, #tpu.memory_space<vmem>> -> memref<128x32xf32, #tpu.memory_space<vmem>>
        %dma_wait3A_353 = arith.constant 0 : i32
        %dma_wait3A_354 = tpu.memref_slice %arg15[%run_scoped3A_259, %dma_wait3A_353] : memref<4x128xi32, #tpu.memory_space<vmem>> -> memref<1x128xi32, #tpu.memory_space<vmem>>
        %dma_wait3A_355 = tpu.memref_squeeze %dma_wait3A_354 : memref<1x128xi32, #tpu.memory_space<vmem>> -> memref<128xi32, #tpu.memory_space<vmem>>
        %dma_wait3A_356 = arith.constant 0 : i32
        %dma_wait3A_357 = arith.constant 0 : i32
        %dma_wait3A_358 = tpu.memref_slice %arg11[%dma_wait3A_356, %dma_wait3A_357] : memref<13824x32xf32, #tpu.memory_space<vmem_shared>> -> memref<13824x32xf32, #tpu.memory_space<vmem_shared>>
        tpu.wait_indirect_dma semaphore(%run_scoped3A_340 : memref<!tpu.dma_semaphore, #tpu.memory_space<semaphore_mem>>) src(%dma_wait3A_358 : memref<13824x32xf32, #tpu.memory_space<vmem_shared>>) dst(%dma_wait3A_352 : memref<128x32xf32, #tpu.memory_space<vmem>>)
        tpu.yield
      }) : () -> ()
      %run_scoped3A_260 = arith.constant 2 : i32
      "tpu.region"() ({
        %run_scoped3A_340 = tpu.sem_alloc : memref<!tpu.dma_semaphore, #tpu.memory_space<semaphore_mem>>
        %dma_start3A_341 = arith.constant 256 : i32
        %dma_start3A_342 = arith.constant 0 : i32
        %dma_start3A_343 = tpu.memref_slice %arg18[%dma_start3A_341, %dma_start3A_342] : memref<512x32xf32, #tpu.memory_space<vmem>> -> memref<128x32xf32, #tpu.memory_space<vmem>>
        %dma_start3A_344 = arith.constant 0 : i32
        %dma_start3A_345 = tpu.memref_slice %arg15[%run_scoped3A_260, %dma_start3A_344] : memref<4x128xi32, #tpu.memory_space<vmem>> -> memref<1x128xi32, #tpu.memory_space<vmem>>
        %dma_start3A_346 = tpu.memref_squeeze %dma_start3A_345 : memref<1x128xi32, #tpu.memory_space<vmem>> -> memref<128xi32, #tpu.memory_space<vmem>>
        %dma_start3A_347 = arith.constant 0 : i32
        %dma_start3A_348 = arith.constant 0 : i32
        %dma_start3A_349 = tpu.memref_slice %arg11[%dma_start3A_347, %dma_start3A_348] : memref<13824x32xf32, #tpu.memory_space<vmem_shared>> -> memref<13824x32xf32, #tpu.memory_space<vmem_shared>>
        tpu.enqueue_indirect_dma source(%dma_start3A_349 : memref<13824x32xf32, #tpu.memory_space<vmem_shared>>) target(%dma_start3A_343 : memref<128x32xf32, #tpu.memory_space<vmem>>) offsets(%dma_start3A_346 : memref<128xi32, #tpu.memory_space<vmem>>) semaphore(%run_scoped3A_340 : memref<!tpu.dma_semaphore, #tpu.memory_space<semaphore_mem>>)
        %dma_wait3A_350 = arith.constant 256 : i32
        %dma_wait3A_351 = arith.constant 0 : i32
        %dma_wait3A_352 = tpu.memref_slice %arg18[%dma_wait3A_350, %dma_wait3A_351] : memref<512x32xf32, #tpu.memory_space<vmem>> -> memref<128x32xf32, #tpu.memory_space<vmem>>
        %dma_wait3A_353 = arith.constant 0 : i32
        %dma_wait3A_354 = tpu.memref_slice %arg15[%run_scoped3A_260, %dma_wait3A_353] : memref<4x128xi32, #tpu.memory_space<vmem>> -> memref<1x128xi32, #tpu.memory_space<vmem>>
        %dma_wait3A_355 = tpu.memref_squeeze %dma_wait3A_354 : memref<1x128xi32, #tpu.memory_space<vmem>> -> memref<128xi32, #tpu.memory_space<vmem>>
        %dma_wait3A_356 = arith.constant 0 : i32
        %dma_wait3A_357 = arith.constant 0 : i32
        %dma_wait3A_358 = tpu.memref_slice %arg11[%dma_wait3A_356, %dma_wait3A_357] : memref<13824x32xf32, #tpu.memory_space<vmem_shared>> -> memref<13824x32xf32, #tpu.memory_space<vmem_shared>>
        tpu.wait_indirect_dma semaphore(%run_scoped3A_340 : memref<!tpu.dma_semaphore, #tpu.memory_space<semaphore_mem>>) src(%dma_wait3A_358 : memref<13824x32xf32, #tpu.memory_space<vmem_shared>>) dst(%dma_wait3A_352 : memref<128x32xf32, #tpu.memory_space<vmem>>)
        tpu.yield
      }) : () -> ()
      %run_scoped3A_261 = arith.constant 3 : i32
      "tpu.region"() ({
        %run_scoped3A_340 = tpu.sem_alloc : memref<!tpu.dma_semaphore, #tpu.memory_space<semaphore_mem>>
        %dma_start3A_341 = arith.constant 384 : i32
        %dma_start3A_342 = arith.constant 0 : i32
        %dma_start3A_343 = tpu.memref_slice %arg18[%dma_start3A_341, %dma_start3A_342] : memref<512x32xf32, #tpu.memory_space<vmem>> -> memref<128x32xf32, #tpu.memory_space<vmem>>
        %dma_start3A_344 = arith.constant 0 : i32
        %dma_start3A_345 = tpu.memref_slice %arg15[%run_scoped3A_261, %dma_start3A_344] : memref<4x128xi32, #tpu.memory_space<vmem>> -> memref<1x128xi32, #tpu.memory_space<vmem>>
        %dma_start3A_346 = tpu.memref_squeeze %dma_start3A_345 : memref<1x128xi32, #tpu.memory_space<vmem>> -> memref<128xi32, #tpu.memory_space<vmem>>
        %dma_start3A_347 = arith.constant 0 : i32
        %dma_start3A_348 = arith.constant 0 : i32
        %dma_start3A_349 = tpu.memref_slice %arg11[%dma_start3A_347, %dma_start3A_348] : memref<13824x32xf32, #tpu.memory_space<vmem_shared>> -> memref<13824x32xf32, #tpu.memory_space<vmem_shared>>
        tpu.enqueue_indirect_dma source(%dma_start3A_349 : memref<13824x32xf32, #tpu.memory_space<vmem_shared>>) target(%dma_start3A_343 : memref<128x32xf32, #tpu.memory_space<vmem>>) offsets(%dma_start3A_346 : memref<128xi32, #tpu.memory_space<vmem>>) semaphore(%run_scoped3A_340 : memref<!tpu.dma_semaphore, #tpu.memory_space<semaphore_mem>>)
        %dma_wait3A_350 = arith.constant 384 : i32
        %dma_wait3A_351 = arith.constant 0 : i32
        %dma_wait3A_352 = tpu.memref_slice %arg18[%dma_wait3A_350, %dma_wait3A_351] : memref<512x32xf32, #tpu.memory_space<vmem>> -> memref<128x32xf32, #tpu.memory_space<vmem>>
        %dma_wait3A_353 = arith.constant 0 : i32
        %dma_wait3A_354 = tpu.memref_slice %arg15[%run_scoped3A_261, %dma_wait3A_353] : memref<4x128xi32, #tpu.memory_space<vmem>> -> memref<1x128xi32, #tpu.memory_space<vmem>>
        %dma_wait3A_355 = tpu.memref_squeeze %dma_wait3A_354 : memref<1x128xi32, #tpu.memory_space<vmem>> -> memref<128xi32, #tpu.memory_space<vmem>>
        %dma_wait3A_356 = arith.constant 0 : i32
        %dma_wait3A_357 = arith.constant 0 : i32
        %dma_wait3A_358 = tpu.memref_slice %arg11[%dma_wait3A_356, %dma_wait3A_357] : memref<13824x32xf32, #tpu.memory_space<vmem_shared>> -> memref<13824x32xf32, #tpu.memory_space<vmem_shared>>
        tpu.wait_indirect_dma semaphore(%run_scoped3A_340 : memref<!tpu.dma_semaphore, #tpu.memory_space<semaphore_mem>>) src(%dma_wait3A_358 : memref<13824x32xf32, #tpu.memory_space<vmem_shared>>) dst(%dma_wait3A_352 : memref<128x32xf32, #tpu.memory_space<vmem>>)
        tpu.yield
      }) : () -> ()
      %dma_wait3A_262 = arith.constant 0 : i32
      %dma_wait3A_263 = arith.constant 0 : i32
      %dma_wait3A_264 = arith.constant 0 : i32
      %dma_wait3A_265 = tpu.memref_slice %arg17[%dma_wait3A_263, %dma_wait3A_264] : memref<512x32xf32, #tpu.memory_space<vmem>> -> memref<128x32xf32, #tpu.memory_space<vmem>>
      %dma_wait3A_266 = arith.constant 0 : i32
      %dma_wait3A_267 = tpu.memref_slice %arg13[%dma_wait3A_262, %dma_wait3A_266] : memref<4x128xi32, #tpu.memory_space<vmem>> -> memref<1x128xi32, #tpu.memory_space<vmem>>
      %dma_wait3A_268 = tpu.memref_squeeze %dma_wait3A_267 : memref<1x128xi32, #tpu.memory_space<vmem>> -> memref<128xi32, #tpu.memory_space<vmem>>
      %dma_wait3A_269 = arith.constant 0 : i32
      %dma_wait3A_270 = arith.constant 0 : i32
      %dma_wait3A_271 = tpu.memref_slice %arg4[%dma_wait3A_269, %dma_wait3A_270] : memref<1000000x32xf32, #tpu.memory_space<hbm>> -> memref<1000000x32xf32, #tpu.memory_space<hbm>>
      tpu.wait_indirect_dma semaphore(%arg22 : memref<!tpu.dma_semaphore, #tpu.memory_space<semaphore_mem>>) src(%dma_wait3A_271 : memref<1000000x32xf32, #tpu.memory_space<hbm>>) dst(%dma_wait3A_265 : memref<128x32xf32, #tpu.memory_space<vmem>>)
      %dma_wait3A_272 = arith.constant 1 : i32
      %dma_wait3A_273 = arith.constant 128 : i32
      %dma_wait3A_274 = arith.constant 0 : i32
      %dma_wait3A_275 = tpu.memref_slice %arg17[%dma_wait3A_273, %dma_wait3A_274] : memref<512x32xf32, #tpu.memory_space<vmem>> -> memref<128x32xf32, #tpu.memory_space<vmem>>
      %dma_wait3A_276 = arith.constant 0 : i32
      %dma_wait3A_277 = tpu.memref_slice %arg13[%dma_wait3A_272, %dma_wait3A_276] : memref<4x128xi32, #tpu.memory_space<vmem>> -> memref<1x128xi32, #tpu.memory_space<vmem>>
      %dma_wait3A_278 = tpu.memref_squeeze %dma_wait3A_277 : memref<1x128xi32, #tpu.memory_space<vmem>> -> memref<128xi32, #tpu.memory_space<vmem>>
      %dma_wait3A_279 = arith.constant 0 : i32
      %dma_wait3A_280 = arith.constant 0 : i32
      %dma_wait3A_281 = tpu.memref_slice %arg4[%dma_wait3A_279, %dma_wait3A_280] : memref<1000000x32xf32, #tpu.memory_space<hbm>> -> memref<1000000x32xf32, #tpu.memory_space<hbm>>
      tpu.wait_indirect_dma semaphore(%arg22 : memref<!tpu.dma_semaphore, #tpu.memory_space<semaphore_mem>>) src(%dma_wait3A_281 : memref<1000000x32xf32, #tpu.memory_space<hbm>>) dst(%dma_wait3A_275 : memref<128x32xf32, #tpu.memory_space<vmem>>)
      %dma_wait3A_282 = arith.constant 2 : i32
      %dma_wait3A_283 = arith.constant 256 : i32
      %dma_wait3A_284 = arith.constant 0 : i32
      %dma_wait3A_285 = tpu.memref_slice %arg17[%dma_wait3A_283, %dma_wait3A_284] : memref<512x32xf32, #tpu.memory_space<vmem>> -> memref<128x32xf32, #tpu.memory_space<vmem>>
      %dma_wait3A_286 = arith.constant 0 : i32
      %dma_wait3A_287 = tpu.memref_slice %arg13[%dma_wait3A_282, %dma_wait3A_286] : memref<4x128xi32, #tpu.memory_space<vmem>> -> memref<1x128xi32, #tpu.memory_space<vmem>>
      %dma_wait3A_288 = tpu.memref_squeeze %dma_wait3A_287 : memref<1x128xi32, #tpu.memory_space<vmem>> -> memref<128xi32, #tpu.memory_space<vmem>>
      %dma_wait3A_289 = arith.constant 0 : i32
      %dma_wait3A_290 = arith.constant 0 : i32
      %dma_wait3A_291 = tpu.memref_slice %arg4[%dma_wait3A_289, %dma_wait3A_290] : memref<1000000x32xf32, #tpu.memory_space<hbm>> -> memref<1000000x32xf32, #tpu.memory_space<hbm>>
      tpu.wait_indirect_dma semaphore(%arg22 : memref<!tpu.dma_semaphore, #tpu.memory_space<semaphore_mem>>) src(%dma_wait3A_291 : memref<1000000x32xf32, #tpu.memory_space<hbm>>) dst(%dma_wait3A_285 : memref<128x32xf32, #tpu.memory_space<vmem>>)
      %dma_wait3A_292 = arith.constant 3 : i32
      %dma_wait3A_293 = arith.constant 384 : i32
      %dma_wait3A_294 = arith.constant 0 : i32
      %dma_wait3A_295 = tpu.memref_slice %arg17[%dma_wait3A_293, %dma_wait3A_294] : memref<512x32xf32, #tpu.memory_space<vmem>> -> memref<128x32xf32, #tpu.memory_space<vmem>>
      %dma_wait3A_296 = arith.constant 0 : i32
      %dma_wait3A_297 = tpu.memref_slice %arg13[%dma_wait3A_292, %dma_wait3A_296] : memref<4x128xi32, #tpu.memory_space<vmem>> -> memref<1x128xi32, #tpu.memory_space<vmem>>
      %dma_wait3A_298 = tpu.memref_squeeze %dma_wait3A_297 : memref<1x128xi32, #tpu.memory_space<vmem>> -> memref<128xi32, #tpu.memory_space<vmem>>
      %dma_wait3A_299 = arith.constant 0 : i32
      %dma_wait3A_300 = arith.constant 0 : i32
      %dma_wait3A_301 = tpu.memref_slice %arg4[%dma_wait3A_299, %dma_wait3A_300] : memref<1000000x32xf32, #tpu.memory_space<hbm>> -> memref<1000000x32xf32, #tpu.memory_space<hbm>>
      tpu.wait_indirect_dma semaphore(%arg22 : memref<!tpu.dma_semaphore, #tpu.memory_space<semaphore_mem>>) src(%dma_wait3A_301 : memref<1000000x32xf32, #tpu.memory_space<hbm>>) dst(%dma_wait3A_295 : memref<128x32xf32, #tpu.memory_space<vmem>>)
      %parallel_loop3A_302 = arith.constant 0 : i32
      %parallel_loop3A_303 = arith.constant 512 : i32
      %parallel_loop3A_304 = arith.constant 1 : i32
      scf.for %parallel_loop3A_340 = %parallel_loop3A_302 to %parallel_loop3A_303 step %parallel_loop3A_304  : i32 {
        %parallel_loop3A_341 = arith.constant 4 : i32
        %parallel_loop3A_342 = arith.divsi %parallel_loop3A_340, %parallel_loop3A_341 : i32
        %parallel_loop3A_343 = arith.constant 0 : i32
        %parallel_loop3A_344 = arith.cmpi sgt, %parallel_loop3A_340, %parallel_loop3A_343 : i32
        %parallel_loop3A_345 = arith.extui %parallel_loop3A_344 : i1 to i32
        %parallel_loop3A_346 = arith.constant 0 : i32
        %parallel_loop3A_347 = arith.cmpi slt, %parallel_loop3A_340, %parallel_loop3A_346 : i32
        %parallel_loop3A_348 = arith.extui %parallel_loop3A_347 : i1 to i32
        %parallel_loop3A_349 = arith.subi %parallel_loop3A_345, %parallel_loop3A_348 : i32
        %parallel_loop3A_350 = arith.constant 0 : i32
        %parallel_loop3A_351 = arith.cmpi sgt, %parallel_loop3A_341, %parallel_loop3A_350 : i32
        %parallel_loop3A_352 = arith.extui %parallel_loop3A_351 : i1 to i32
        %parallel_loop3A_353 = arith.constant 0 : i32
        %parallel_loop3A_354 = arith.cmpi slt, %parallel_loop3A_341, %parallel_loop3A_353 : i32
        %parallel_loop3A_355 = arith.extui %parallel_loop3A_354 : i1 to i32
        %parallel_loop3A_356 = arith.subi %parallel_loop3A_352, %parallel_loop3A_355 : i32
        %parallel_loop3A_357 = arith.cmpi ne, %parallel_loop3A_349, %parallel_loop3A_356 : i32
        %parallel_loop3A_358 = arith.remsi %parallel_loop3A_340, %parallel_loop3A_341 : i32
        %parallel_loop3A_359 = arith.constant 0 : i32
        %parallel_loop3A_360 = arith.cmpi ne, %parallel_loop3A_358, %parallel_loop3A_359 : i32
        %parallel_loop3A_361 = arith.andi %parallel_loop3A_357, %parallel_loop3A_360 : i1
        %parallel_loop3A_362 = arith.constant 1 : i32
        %parallel_loop3A_363 = arith.subi %parallel_loop3A_342, %parallel_loop3A_362 : i32
        %parallel_loop3A_364 = arith.select %parallel_loop3A_361, %parallel_loop3A_363, %parallel_loop3A_342 : i32
        %parallel_loop3A_365 = arith.constant 4 : i32
        %parallel_loop3A_366 = arith.constant 0 : i32
        %parallel_loop3A_367 = arith.cmpi eq, %parallel_loop3A_365, %parallel_loop3A_366 : i32
        %parallel_loop3A_368 = arith.constant 1 : i32
        %parallel_loop3A_369 = arith.select %parallel_loop3A_367, %parallel_loop3A_368, %parallel_loop3A_365 : i32
        %parallel_loop3A_370 = arith.remsi %parallel_loop3A_340, %parallel_loop3A_369 : i32
        %parallel_loop3A_371 = arith.constant 0 : i32
        %parallel_loop3A_372 = arith.cmpi ne, %parallel_loop3A_370, %parallel_loop3A_371 : i32
        %parallel_loop3A_373 = arith.constant 0 : i32
        %parallel_loop3A_374 = arith.cmpi slt, %parallel_loop3A_370, %parallel_loop3A_373 : i32
        %parallel_loop3A_375 = arith.constant 0 : i32
        %parallel_loop3A_376 = arith.cmpi slt, %parallel_loop3A_369, %parallel_loop3A_375 : i32
        %parallel_loop3A_377 = arith.xori %parallel_loop3A_374, %parallel_loop3A_376 : i1
        %parallel_loop3A_378 = arith.andi %parallel_loop3A_377, %parallel_loop3A_372 : i1
        %parallel_loop3A_379 = arith.addi %parallel_loop3A_370, %parallel_loop3A_369 : i32
        %parallel_loop3A_380 = arith.select %parallel_loop3A_378, %parallel_loop3A_379, %parallel_loop3A_370 : i32
        %parallel_loop3A_381 = arith.constant 32 : i32
        %parallel_loop3A_382 = arith.muli %parallel_loop3A_380, %parallel_loop3A_381 : i32
        %parallel_loop3A_383 = arith.index_cast %parallel_loop3A_340 : i32 to index
        %parallel_loop3A_384 = arith.constant 0 : index
        %parallel_loop3A_385 = tpu.vector_load %arg17[%parallel_loop3A_383, %parallel_loop3A_384] {strides = array<i32>} : memref<512x32xf32, #tpu.memory_space<vmem>>, vector<1x16xf32>,
        %parallel_loop3A_386 = vector.shape_cast %parallel_loop3A_385 : vector<1x16xf32> to vector<16xf32>
        %parallel_loop3A_387 = arith.index_cast %parallel_loop3A_340 : i32 to index
        %parallel_loop3A_388 = arith.constant 0 : index
        %parallel_loop3A_389 = tpu.vector_load %arg18[%parallel_loop3A_387, %parallel_loop3A_388] {strides = array<i32>} : memref<512x32xf32, #tpu.memory_space<vmem>>, vector<1x16xf32>,
        %parallel_loop3A_390 = vector.shape_cast %parallel_loop3A_389 : vector<1x16xf32> to vector<16xf32>
        %parallel_loop3A_391 = arith.addf %parallel_loop3A_386, %parallel_loop3A_390 : vector<16xf32>
        %parallel_loop3A_392 = arith.constant 0 : i32
        %parallel_loop3A_393 = arith.addi %parallel_loop3A_382, %parallel_loop3A_392 : i32
        %parallel_loop3A_394 = arith.index_cast %parallel_loop3A_364 : i32 to index
        %parallel_loop3A_395 = arith.index_cast %parallel_loop3A_393 : i32 to index
        %parallel_loop3A_396 = tpu.vector_load %arg20[%parallel_loop3A_394, %parallel_loop3A_395] {strides = array<i32>} : memref<128x128xf32, #tpu.memory_space<vmem>>, vector<1x16xf32>,
        %parallel_loop3A_397 = vector.shape_cast %parallel_loop3A_396 : vector<1x16xf32> to vector<16xf32>
        %parallel_loop3A_398 = vector.shape_cast %parallel_loop3A_391 : vector<16xf32> to vector<1x16xf32>
        tpu.vector_store %arg20[%parallel_loop3A_394, %parallel_loop3A_395], %parallel_loop3A_398 {strides = array<i32>} : memref<128x128xf32, #tpu.memory_space<vmem>>, vector<1x16xf32>,
        %parallel_loop3A_399 = arith.index_cast %parallel_loop3A_340 : i32 to index
        %parallel_loop3A_400 = arith.constant 16 : index
        %parallel_loop3A_401 = tpu.vector_load %arg17[%parallel_loop3A_399, %parallel_loop3A_400] {strides = array<i32>} : memref<512x32xf32, #tpu.memory_space<vmem>>, vector<1x16xf32>,
        %parallel_loop3A_402 = vector.shape_cast %parallel_loop3A_401 : vector<1x16xf32> to vector<16xf32>
        %parallel_loop3A_403 = arith.index_cast %parallel_loop3A_340 : i32 to index
        %parallel_loop3A_404 = arith.constant 16 : index
        %parallel_loop3A_405 = tpu.vector_load %arg18[%parallel_loop3A_403, %parallel_loop3A_404] {strides = array<i32>} : memref<512x32xf32, #tpu.memory_space<vmem>>, vector<1x16xf32>,
        %parallel_loop3A_406 = vector.shape_cast %parallel_loop3A_405 : vector<1x16xf32> to vector<16xf32>
        %parallel_loop3A_407 = arith.addf %parallel_loop3A_402, %parallel_loop3A_406 : vector<16xf32>
        %parallel_loop3A_408 = arith.constant 16 : i32
        %parallel_loop3A_409 = arith.addi %parallel_loop3A_382, %parallel_loop3A_408 : i32
        %parallel_loop3A_410 = arith.index_cast %parallel_loop3A_364 : i32 to index
        %parallel_loop3A_411 = arith.index_cast %parallel_loop3A_409 : i32 to index
        %parallel_loop3A_412 = tpu.vector_load %arg20[%parallel_loop3A_410, %parallel_loop3A_411] {strides = array<i32>} : memref<128x128xf32, #tpu.memory_space<vmem>>, vector<1x16xf32>,
        %parallel_loop3A_413 = vector.shape_cast %parallel_loop3A_412 : vector<1x16xf32> to vector<16xf32>
        %parallel_loop3A_414 = vector.shape_cast %parallel_loop3A_407 : vector<16xf32> to vector<1x16xf32>
        tpu.vector_store %arg20[%parallel_loop3A_410, %parallel_loop3A_411], %parallel_loop3A_414 {strides = array<i32>} : memref<128x128xf32, #tpu.memory_space<vmem>>, vector<1x16xf32>,
      } {sc.loop_unroll_factor = 4 : i64, sc.parallel_access}
      %add3A_305 = arith.constant 1 : i32
      %add3A_306 = arith.addi %mul3A_135, %add3A_305 : i32
      %mul3A_307 = arith.constant 4 : i32
      %mul3A_308 = arith.muli %add3A_306, %mul3A_307 : i32
      %add3A_309 = arith.addi %mul3A_2, %mul3A_308 : i32
      %mul3A_310 = arith.constant 128 : i32
      %mul3A_311 = arith.muli %add3A_309, %mul3A_310 : i32
      %jit3A_312 = arith.constant 4 : i32
      %div3A_313 = arith.divsi %mul3A_311, %jit3A_312 : i32
      %sign3A_314 = arith.constant 0 : i32
      %sign3A_315 = arith.cmpi sgt, %mul3A_311, %sign3A_314 : i32
      %sign3A_316 = arith.extui %sign3A_315 : i1 to i32
      %sign3A_317 = arith.constant 0 : i32
      %sign3A_318 = arith.cmpi slt, %mul3A_311, %sign3A_317 : i32
      %sign3A_319 = arith.extui %sign3A_318 : i1 to i32
      %sign3A_320 = arith.subi %sign3A_316, %sign3A_319 : i32
      %sign3A_321 = arith.constant 0 : i32
      %sign3A_322 = arith.cmpi sgt, %jit3A_312, %sign3A_321 : i32
      %sign3A_323 = arith.extui %sign3A_322 : i1 to i32
      %sign3A_324 = arith.constant 0 : i32
      %sign3A_325 = arith.cmpi slt, %jit3A_312, %sign3A_324 : i32
      %sign3A_326 = arith.extui %sign3A_325 : i1 to i32
      %sign3A_327 = arith.subi %sign3A_323, %sign3A_326 : i32
      %ne3A_328 = arith.cmpi ne, %sign3A_320, %sign3A_327 : i32
      %rem3A_329 = arith.remsi %mul3A_311, %jit3A_312 : i32
      %ne3A_330 = arith.constant 0 : i32
      %ne3A_331 = arith.cmpi ne, %rem3A_329, %ne3A_330 : i32
      %and3A_332 = arith.andi %ne3A_328, %ne3A_331 : i1
      %sub3A_333 = arith.constant 1 : i32
      %sub3A_334 = arith.subi %div3A_313, %sub3A_333 : i32
      %select_n3A_335 = arith.select %and3A_332, %sub3A_334, %div3A_313 : i32
      %dma_start3A_336 = arith.constant 0 : i32
      %dma_start3A_337 = tpu.memref_slice %arg7[%select_n3A_335, %dma_start3A_336] : memref<204800x128xf32, #tpu.memory_space<hbm>> -> memref<128x128xf32, #tpu.memory_space<hbm>>
      %dma_start3A_338 = arith.constant 0 : i32
      %dma_start3A_339 = tpu.memref_slice %arg7[%select_n3A_335, %dma_start3A_338] : memref<204800x128xf32, #tpu.memory_space<hbm>> -> memref<128x128xf32, #tpu.memory_space<hbm>>
      tpu.enqueue_dma source(%arg20 : memref<128x128xf32, #tpu.memory_space<vmem>>) target(%dma_start3A_339 : memref<128x128xf32, #tpu.memory_space<hbm>>) target_semaphore(%arg24 : memref<!tpu.dma_semaphore, #tpu.memory_space<semaphore_mem>>)
    }
    %scan3A_121 = arith.constant 25 : i32
    %dma_wait3A = arith.constant 0 : i32
    %dma_wait3A_122 = arith.constant 0 : i32
    %dma_wait3A_123 = tpu.memref_slice %arg7[%dma_wait3A, %dma_wait3A_122] : memref<204800x128xf32, #tpu.memory_space<hbm>> -> memref<128x128xf32, #tpu.memory_space<hbm>>
    %dma_wait3A_124 = arith.constant 0 : i32
    %dma_wait3A_125 = arith.constant 0 : i32
    %dma_wait3A_126 = tpu.memref_slice %arg7[%dma_wait3A_124, %dma_wait3A_125] : memref<204800x128xf32, #tpu.memory_space<hbm>> -> memref<128x128xf32, #tpu.memory_space<hbm>>
    tpu.wait_dma2 semaphore(%arg23 : memref<!tpu.dma_semaphore, #tpu.memory_space<semaphore_mem>>) src(%arg19 : memref<128x128xf32, #tpu.memory_space<vmem>>) dst(%dma_wait3A_126 : memref<128x128xf32, #tpu.memory_space<hbm>>)
    %dma_wait3A_127 = arith.constant 0 : i32
    %dma_wait3A_128 = arith.constant 0 : i32
    %dma_wait3A_129 = tpu.memref_slice %arg7[%dma_wait3A_127, %dma_wait3A_128] : memref<204800x128xf32, #tpu.memory_space<hbm>> -> memref<128x128xf32, #tpu.memory_space<hbm>>
    %dma_wait3A_130 = arith.constant 0 : i32
    %dma_wait3A_131 = arith.constant 0 : i32
    %dma_wait3A_132 = tpu.memref_slice %arg7[%dma_wait3A_130, %dma_wait3A_131] : memref<204800x128xf32, #tpu.memory_space<hbm>> -> memref<128x128xf32, #tpu.memory_space<hbm>>
    tpu.wait_dma2 semaphore(%arg24 : memref<!tpu.dma_semaphore, #tpu.memory_space<semaphore_mem>>) src(%arg20 : memref<128x128xf32, #tpu.memory_space<vmem>>) dst(%dma_wait3A_132 : memref<128x128xf32, #tpu.memory_space<hbm>>)
    return
  }
}

</mosaic_0001>

<sc_bundles>
// kernel: _run.3.cloned.1.call-start
scs
__scs_entry_jumppad:
0x0: {  	(pc) =	sbr.rel $0x88, $3  }
0x1: {  	(tag) =	ssettag $0x0;
	lr =	simm.s32 $0x1  }
0x2: {  	[smem:$0x3F9C] =	sst lr;
	_ =	strace $0xD0000000  }
0x3: {  	_ = 	snop  }
0x4: {  	_ = 	snop  }
0x5: {  	_ = 	snop  }
0x6: {  	_ = 	snop  }
0x7: {  	_ = 	snop  }
__scs_overlays_trampoline_lowered:
0x8: {  	[smem:$0x3FAB] =	sst s0  }
0x9: {  	[smem:$0x3FAC] =	sst s1  }
0xa: {  	[smem:$0x3FAD] =	sst s2  }
0xb: {  	[smem:$0x3FAE] =	sst s3  }
0xc: {  	[smem:$0x3FAF] =	sst s4  }
0xd: {  	[smem:$0x3FB0] =	sst s5  }
0xe: {  	[smem:$0x3FB1] =	sst s6  }
0xf: {  	[smem:$0x3FB2] =	sst s7  }
0x10: {  	[smem:$0x3FB3] =	sst s8  }
0x11: {  	[smem:$0x3FB4] =	sst s9;
	s0 =	simm.s32 @!p0 $0x0  }
0x12: {  	s1 =	sld [smem:$0x3F9A];
	s0 =	simm.s32 @p0 $0x1  }
0x13: {  	[smem:$0x3FB5] =	sst s0;
	s0 =	simm.s32 @!p1 $0x0  }
0x14: {  	s2 =	sld [smem:$0x3F99];
	s0 =	simm.s32 @p1 $0x1  }
0x15: {  	[smem:$0x3FB6] =	sst s0;
	s0 =	simm.s32 @!p2 $0x0  }
0x16: {  	s3 =	sld [smem:$0x3FDB];
	s0 =	simm.s32 @p2 $0x1  }
0x17: {  	s4 =	simm.s32 $0x1BF5;
	[smem:$0x3FB8] =	sst s0  }
0x18: {  	s0 =	sld [smem:$0x3F9B];
	_ =	swait.ge [sflag:s4], $0x0  }
0x19: {  	s7 =	sld [smem:$0x3F9C]  }
0x1a: {  	s8 =	sadd.s32 $0xFFFFE003, lr  }
0x1b: {  	s9 =	sadd.s32 $0xFFFFFEF7, lr;
	s5 =	simm.s32 $0xFFFFFFFF;
	p2 =	slt.u32 s8, $0xFFFFF086  }
0x1c: {  	p1 =	slt.u32 s9, $0xF7A;
	s5 =	simm.s32 @!p2 $0x0  }
0x1d: {  	s5 =	simm.s32 @p1 $0x1;
	p0 =	seq.s32 s7, s2  }
0x1e: {  	s7 =	smul.u32 @!p0 $0xF7A, s2;
	p2 =	seq.s32 @!p0 s5, $0x0  }
0x1f: {  	s9 =	smul.u32 $0xF7A, s1;
	s8 =	simm.s32 @!p0 $0x1BF5;
	p2 =	por !p2, p0  }
0x20: {  	[sflag:s8] =	ssyncset.s32 @!p0 $0xFFFFF086;
	s6 =	sadd.s32 @!p0 s3, s7;
	s7 =	simm.s32 @!p0 $0x108  }
0x21: {  	s3 =	sadd.s32 s3, s9;
	s6 =	sadd.s32 @!p0 $0x88, s6;
	s7 =	simm.s32 @p2 $0x1082  }
0x22: {  	[simem:s7], [sflag:s8] =	dma.local @!p0 [hbm:s6], $0xF7A  }
0x23: {  	s9 =	sor.u32 $0xD0000000, s2;
	s6 =	simm.s32 $0x108;
	_ =	swait.ge @!p0 [sflag:s8], $0x0  }
0x24: {  	s3 =	sadd.s32 $0x88, s3;
	s6 =	simm.s32 @!p1 $0x1082;
	[sflag:s4] =	ssyncset.s32 $0xFFFFF086  }
0x25: {  	[simem:s6], [sflag:s4] =	dma.local [hbm:s3], $0xF7A  }
0x26: {  	[smem:$0x3F9C] =	sst s1;
	(tag) =	ssettag s2;
	_ =	strace s9  }
0x27: {  	s1 =	sld [smem:$0x3FAC]  }
0x28: {  	s2 =	sld [smem:$0x3FAD]  }
0x29: {  	s4 =	sld [smem:$0x3FAF]  }
0x2a: {  	p0 =	seq.s32 s5, $0x0;
	s5 =	sld [smem:$0x3FB0]  }
0x2b: {  	s6 =	sld [smem:$0x3FB1]  }
0x2c: {  	s7 =	sld [smem:$0x3FB2]  }
0x2d: {  	s3 =	simm.s32 $0x108;
	s8 =	sld [smem:$0x3FB3]  }
0x2e: {  	s3 =	simm.s32 @!p0 $0x1082;
	s9 =	sld [smem:$0x3FB4]  }
0x2f: {  	lr =	sadd.s32 s0, s3;
	s0 =	sld [smem:$0x3FAB]  }
0x30: {  	s3 =	sld [smem:$0x3FAE]  }
0x31: {  	[smem:$0x3FB7] =	sst s10  }
0x32: {  	s10 =	sld [smem:$0x3FB5];
	_ =	sdelay $0x3  }
0x33: {  	p0 =	seq.s32 s10, $0x1;
	s10 =	sld [smem:$0x3FB7];
	_ =	sdelay $0x3  }
0x34: {  	[smem:$0x3FB7] =	sst s10  }
0x35: {  	s10 =	sld [smem:$0x3FB6];
	_ =	sdelay $0x3  }
0x36: {  	p1 =	seq.s32 s10, $0x1;
	s10 =	sld [smem:$0x3FB7];
	_ =	sdelay $0x3  }
0x37: {  	[smem:$0x3FB7] =	sst s10  }
0x38: {  	s10 =	sld [smem:$0x3FB8]  }
0x39: {  	_ = 	snop;
	(pc) =	sbr.ind lr, $3  }
0x3a: {  	_ = 	snop  }
0x3b: {  	_ = 	snop  }
0x3c: {  	p2 =	seq.s32 s10, $0x1;
	s10 =	sld [smem:$0x3FB7]  }
0x3d: {  	_ =	shalt  }
0x3e: {  	_ =	shalt  }
0x3f: {  	_ =	shalt  }
0x40: {  	_ =	shalt  }
0x41: {  	_ =	shalt  }
0x42: {  	_ =	shalt  }
0x43: {  	_ =	shalt  }
0x44: {  	_ =	shalt  }
0x45: {  	_ =	shalt  }
0x46: {  	_ =	shalt  }
0x47: {  	_ =	shalt  }
0x48: {  	_ =	shalt  }
0x49: {  	_ =	shalt  }
0x4a: {  	_ =	shalt  }
0x4b: {  	_ =	shalt  }
0x4c: {  	_ =	shalt  }
0x4d: {  	_ =	shalt  }
0x4e: {  	_ =	shalt  }
0x4f: {  	_ =	shalt  }
0x50: {  	_ =	shalt  }
0x51: {  	_ =	shalt  }
0x52: {  	_ =	shalt  }
0x53: {  	_ =	shalt  }
0x54: {  	_ =	shalt  }
0x55: {  	_ =	shalt  }
0x56: {  	_ =	shalt  }
0x57: {  	_ =	shalt  }
0x58: {  	_ =	shalt  }
0x59: {  	_ =	shalt  }
0x5a: {  	_ =	shalt  }
0x5b: {  	_ =	shalt  }
0x5c: {  	_ =	shalt  }
0x5d: {  	_ =	shalt  }
0x5e: {  	_ =	shalt  }
0x5f: {  	_ =	shalt  }
0x60: {  	_ =	shalt  }
0x61: {  	_ =	shalt  }
0x62: {  	_ =	shalt  }
0x63: {  	_ =	shalt  }
0x64: {  	_ =	shalt  }
0x65: {  	_ =	shalt  }
0x66: {  	_ =	shalt  }
0x67: {  	_ =	shalt  }
0x68: {  	_ =	shalt  }
0x69: {  	_ =	shalt  }
0x6a: {  	_ =	shalt  }
0x6b: {  	_ =	shalt  }
0x6c: {  	_ =	shalt  }
0x6d: {  	_ =	shalt  }
0x6e: {  	_ =	shalt  }
0x6f: {  	_ =	shalt  }
0x70: {  	_ =	shalt  }
0x71: {  	_ =	shalt  }
0x72: {  	_ =	shalt  }
0x73: {  	_ =	shalt  }
0x74: {  	_ =	shalt  }
0x75: {  	_ =	shalt  }
0x76: {  	_ =	shalt  }
0x77: {  	_ =	shalt  }
0x78: {  	_ =	shalt  }
0x79: {  	_ =	shalt  }
0x7a: {  	_ =	shalt  }
0x7b: {  	_ =	shalt  }
0x7c: {  	_ =	shalt  }
0x7d: {  	_ =	shalt  }
0x7e: {  	_ =	shalt  }
0x7f: {  	_ =	shalt  }
0x80: {  	_ =	shalt  }
0x81: {  	_ =	shalt  }
0x82: {  	_ =	shalt  }
0x83: {  	_ =	shalt  }
0x84: {  	_ =	shalt  }
0x85: {  	_ =	shalt  }
0x86: {  	_ =	shalt  }
0x87: {  	_ =	shalt  }
.Lfunc_end0:
.L_simem_size_0:
called_computation_lowered:
.L_overlay_start_0:
0x88: {  	s2 =	sld [smem:$0x3FD9]  }
0x89: {  	s3 =	sld [smem:$0x3FFE];
	_ =	sdelay $0x1  }
0x8a: {  	s1 =	srdreg.scid  }
0x8b: {  	s0 =	sand.u32 $0x1, s1  }
0x8c: {  	s17 =	sshll.u32 s0, $0xA;
	s2 =	sadd.s32 s3, s2  }
0x8d: {  	s2 =	sadd.s32 s2, s17  }
0x8e: {  	[smem:$0x3FC3] =	sst s2  }
0x8f: {  	_ = 	snop  }
0x90: {  	s2 =	sld [smem:$0x3FC9]  }
0x91: {  	s18 =	sld [smem:$0x3FC8]  }
0x92: {  	s4 =	sld [smem:$0x3FD0];
	(tm) =	ssettm $0x1  }
0x93: {  	s5 =	sld [smem:$0x3FFB];
	_ =	sdelay $0x3  }
0x94: {  	_ =	strace s5  }
0x95: {  	s5 =	sld [smem:$0x3FFC];
	_ =	sdelay $0x3  }
0x96: {  	_ =	strace s5  }
0x97: {  	s5 =	sld [smem:$0x3FFD];
	_ =	sdelay $0x3  }
0x98: {  	_ =	strace s5  }
0x99: {  	_ =	strace $0x8FFFFFFF  }
0x9a: {  	s19 =	sld [smem:$0x3FDB];
	_ =	sdelay $0x1  }
0x9b: {  	s6 =	simm.s32 $_scs_section_size  }
0x9c: {  	s7 =	simm.s32 $_size__tile_overlayer_lowered;
	s8 =	simm.s32 $_tile_overlayer_lowered  }
0x9d: {  	s22 =	simm.s32 $0x1BFF;
	s21 =	sshll.u32 s8, $0x1;
	s5 =	sadd.s32 s6, s19  }
0x9e: {  	s9 =	simm.s32 $0x0;
	s20 =	sshll.u32 s7, $0x1;
	s7 =	sadd.s32 s21, s5  }
0x9f: {  	[timem:s9], [sflag:s22] =	dma.local [hbm:s7], s20  }
0xa0: {  	_ =	swait.ge [sflag:s22], s20  }
0xa1: {  	s6 =	ssub.s32 $0x0, s20;
	[sflag:s22] =	ssyncset.done $0x0  }
0xa2: {  	[sflag:s22] =	ssyncadd.s32 s6;
	_ =	sdelay $0x1  }
0xa3: {  	s23 =	simm.s32 $0x1B8B  }
0xa4: {  	_ =	swait.ge [sflag:s23], $0x1  }
0xa5: {  	[sflag:s23] =	ssyncset.done $0x0  }
0xa6: {  	s25 =	simm.s32 $0x1B8E;
	s24 =	sld [smem:$0x3FFE];
	[sflag:s23] =	ssyncadd.s32 $0xFFFFFFFF  }
0xa7: {  	s26 =	simm.s32 $execute0_lowered;
	[smem:$0x3FD2] =	sst s25  }
0xa8: {  	s7 =	sshll.u32 s26, $0x1;
	_ =	strace $0x80000046;
	[dreg:$0x1] =	wrdreg $0xFFFFFFFF  }
0xa9: {  	s28 =	simm.s32 $_size_execute0_lowered;
	s5 =	sadd.s32 s5, s7;
	[dreg:$0x0] =	wrdreg $0x0  }
0xaa: {  	s7 =	sshll.u32 s28, $0x1;
	[dreg:$0x2] =	wrdreg s5  }
0xab: {  	[dreg:$0x3] =	wrdreg s7  }
0xac: {  	[dreg:$0x4] =	wrdreg $0xC0  }
0xad: {  	_ =	task [dreg:s9], $0x5FFFF  }
0xae: {  	[dreg:$0x1] =	wrdreg $0xFFFFFFFF  }
0xaf: {  	[dreg:$0x0] =	wrdreg $0x60  }
0xb0: {  	[dreg:$0x2] =	wrdreg s2  }
0xb1: {  	[dreg:$0x3] =	wrdreg s18  }
0xb2: {  	[dreg:$0x4] =	wrdreg s24  }
0xb3: {  	[dreg:$0x5] =	wrdreg s4  }
0xb4: {  	[dreg:$0x6] =	wrdreg $0x3C000  }
0xb5: {  	[dreg:$0x7] =	wrdreg $0x9  }
0xb6: {  	_ =	task.clear_ibuf [dreg:s9], $0x8FFFF;
	_ =	strace $0x90000046  }
0xb7: {  	s29 =	simm.s32 $0x9;
	_ =	strace $0x80000048  }
0xb8: {  	_ =	swait.ge [sflag:s29], $0x1  }
0xb9: {  	[sflag:s29] =	ssyncadd.s32 $0xFFFFFFFF  }
0xba: {  	_ =	strace $0x90000048  }
0xbb: {  	_ =	sfence  }
0xbc: {  	s30 =	sld [smem:$0x0];
	_ =	sdelay $0x2  }
0xbd: {  	s31 =	sshll.u32 s1, $0xD;
	s1 =	sshrl.u32 s1, $0x2  }
0xbe: {  	s3 =	sand.u32 $0x4000, s31;
	s1 =	sadd.s32 s1, s30  }
0xbf: {  	s0 =	sor.u32 s3, s0;
	s1 =	sshll.u32 s1, $0x11  }
0xc0: {  	s0 =	sor.u32 s1, s0  }
0xc1: {  	s0 =	sadd.s32 $0x8F2B, s0  }
0xc2: {  	[sflag:s0] =	ssyncadd.remote.s32 $0x1  }
0xc3: {  	_ =	sfence.sel $0xFFFF  }
0xc4: {  	[dreg:$0x0] =	wrdreg $0xFFFFFFFF;
	(pc) =	sbr.abs _section_cstart, $3  }
0xc5: {  	[dreg:$0x1] =	wrdreg $0xFFFFFFFF  }
0xc6: {  	_ =	task.clear_ibuf [dreg:s9], $0x2FFFF;
	_ =	strace $0x9FFFFFFF  }
0xc7: {  	(tm) =	ssettm $0x7FFFFFFF  }
tec
execute0_lowered:
.L_overlay_start_1:
0x0: {  	(tag) =	ssettag $0x1  }
0x1: {  	s1 =	rddreg [dreg:$0x0]  }
0x2: {  	s2 =	rddreg [dreg:$0x1]  }
0x3: {  	s0 =	rddreg [dreg:$0x2]  }
0x4: {  	s3 =	rddreg [dreg:$0x3]  }
0x5: {  	s5 =	rddreg [dreg:$0x4]  }
0x6: {  	s6 =	simm.s32 $0x0;
	s4 =	srdreg.scid;
	s13 =	stileid.u32  }
0x7: {  	s28 =	simm.s32 $0xAA00;
	s14 =	simm.s32 $0x1B000;
	[smem:$0x7FF] =	sst s6  }
0x8: {  	s4 =	sand.u32 $0x1, s4;
	s8 =	sshll.u32 s13, $0x1;
	s7 =	sadd.s32 $0xF42C00, s0  }
0x9: {  	s9 =	sadd.s32 $0xC00, s0;
	s11 =	smul.u32 $0x6400, s13;
	s12 =	sor.u32 $0x10, s13  }
0xa: {  	s0 =	sadd.s32 $0x800, s0;
	s17 =	sshll.u32 s13, $0x5;
	s19 =	sor.u32 $0x20, s13  }
0xb: {  	s21 =	sor.u32 $0x30, s13;
	s13 =	sor.u32 $0x40, s13;
	_ =	strace $0x80000047  }
0xc: {  	s8 =	sor.u32 s4, s8;
	[dreg:$0x6] =	wrdreg s9;
	s16 =	smul.u32 $0x6400, s12  }
0xd: {  	s4 =	ssub.s32 $0x2, s4;
	[dreg:$0x7] =	wrdreg s0;
	s20 =	smul.u32 $0x6400, s19  }
0xe: {  	[dreg:$0x8] =	wrdreg s17;
	s12 =	sshll.u32 s12, $0x5;
	s22 =	smul.u32 $0x6400, s21  }
0xf: {  	s23 =	smul.u32 $0x6400, s13;
	s26 =	sshll.u32 s13, $0x5;
	s17 =	simm.s32 $0x1  }
0x10: {  	s9 =	smul.u32 $0xC8, s8;
	s10 =	sshrl.u32 s4, $0x1;
	s18 =	sshrl.u32 s11, $0x2  }
0x11: {  	[dreg:$0xa] =	wrdreg s12;
	s11 =	sshll.u32 s19, $0x5;
	s25 =	smul.u32 $0xC80, s8  }
0x12: {  	[dreg:$0x10] =	wrdreg s26;
	s26 =	simm.s32 $0x5;
	s19 =	simm.s32 $0x2300  }
0x13: {  	s12 =	simm.s32 $0x2;
	s15 =	ssub.s32 s4, s10;
	s10 =	sadd.s32 s18, s5  }
0x14: {  	s4 =	sshrl.u32 s16, $0x2;
	[dreg:$0xc] =	wrdreg s11;
	s24 =	sshrl.u32 s22, $0x2  }
0x15: {  	s29 =	sshrl.u32 s23, $0x2;
	s23 =	smul.u32 $0xC8000, s8;
	s22 =	simm.s32 $0x14000  }
0x16: {  	s11 =	simm.s32 $0x15000;
	[dreg:$0x9] =	wrdreg s10;
	s4 =	sadd.s32 s4, s5  }
0x17: {  	s8 =	simm.s32 $0xAF00;
	s30 =	sadd.s32 s1, s25;
	[dreg:$0xb] =	wrdreg s4  }
0x18: {  	s18 =	simm.s32 $0x0;
	s31 =	sadd.s32 s2, s25;
	[dreg:$0x12] =	wrdreg s30  }
0x19: {  	s10 =	sshrl.u32 s20, $0x2;
	s0 =	smax.u32 s15, $0x1;
	[dreg:$0x13] =	wrdreg s31  }
0x1a: {  	s20 =	simm.s32 $0x13000;
	s10 =	sadd.s32 s10, s5;
	[dreg:$0x14] =	wrdreg s0  }
0x1b: {  	s15 =	simm.s32 $0x16000;
	s4 =	sshll.u32 s21, $0x5;
	[dreg:$0xd] =	wrdreg s10  }
0x1c: {  	s0 =	simm.s32 $0x80;
	[dreg:$0xe] =	wrdreg s4;
	s4 =	sadd.s32 s24, s5  }
0x1d: {  	s24 =	sadd.s32 $0x8, s9;
	[dreg:$0xf] =	wrdreg s4;
	s4 =	sadd.s32 s29, s5  }
0x1e: {  	s10 =	simm.s32 $0xAF80;
	[dreg:$0x11] =	wrdreg s4;
	s4 =	simm.s32 $0xAE00  }
.LBB2_1:
0x1f: {  	[dreg:$0x15] =	wrdreg s18  }
0x20: {  	s13 =	rddreg [dreg:$0x6]  }
0x21: {  	[tilespmem:s6], [sflag:$0x5] =	stream.linear.gather [hbm4b:s13+s6], $0x8A0, $0x38;
	[tilespmem:$0x1F000] =	vst v63  }
0x22: {  	_ =	swait.ge [sflag:s26], $0x8A0  }
0x23: {  	[sflag:s26] =	ssyncset.done $0x0  }
0x24: {  	s16 =	simm.s32 $0xA00;
	s30 =	rddreg [dreg:$0x7];
	[sflag:s26] =	ssyncadd.s32 $0xFFFFF760  }
0x25: {  	[tilespmem:s16], [sflag:$0x5] =	stream.linear.gather [hbm4b:s30+s6], $0x1900, $0x38;
	[tilespmem:$0x1F000] =	vst v63  }
0x26: {  	_ =	swait.ge [sflag:s26], $0x1900  }
0x27: {  	[sflag:s26] =	ssyncset.done $0x0  }
0x28: {  	s31 =	rddreg [dreg:$0x8];
	[sflag:s26] =	ssyncadd.s32 $0xFFFFE700  }
0x29: {  	v0 =	vld [tilespmem:s31+$0x0]  }
0x2a: {  	s13 =	simm.s32 $0x0;
	v1 =	vld [tilespmem:s31+$0x10]  }
0x2b: {  	v2 =	vld [tilespmem:s13+$0xA10]  }
0x2c: {  	v3 =	vld [tilespmem:s13+$0xA00]  }
0x2d: {  	s16 =	simm.s32 $0x80  }
.LBB2_2:
0x2e: {  	p0 =	sne.s32 s16, $0x6380  }
.Ltmp0:
0x2f: {  	_ = 	snop;
	(pc) =	sbr.rel @p0 .LBB2_2-.Ltmp0, $4  }
0x30: {  	s18 =	sshra.s32 s16, $0x2;
	v4 =	vadd.f32 v2, v1  }
0x31: {  	v2 =	vld [tilespmem:s18+$0xA10];
	v5 =	vadd.f32 v3, v0  }
0x32: {  	v3 =	vld [tilespmem:s18+$0xA00];
	[tilespmem:s13+$0x2310] =	vst v4  }
0x33: {  	s16 =	sadd.s32 $0x80, s16;
	[tilespmem:s13+$0x2300] =	vst v5;
	s13 =	smov.u32 s18  }
0x34: {  	_ =	sdelay $0x1  }
0x35: {  	v1 =	vadd.f32 v2, v1  }
0x36: {  	v0 =	vadd.f32 v3, v0  }
0x37: {  	[tilespmem:s13+$0x2310] =	vst v1  }
0x38: {  	[tilespmem:s13+$0x2300] =	vst v0  }
0x39: {  	s13 =	rddreg [dreg:$0x9]  }
0x3a: {  	[spmem:s13] =	stream.linear.scatter [tilespmem:s19], [sflag:$0x5], $0x1900, $0x38;
	[tilespmem:$0x1F000] =	vst v63  }
0x3b: {  	_ =	swait.ge [sflag:s26], $0x1900  }
0x3c: {  	[sflag:s26] =	ssyncset.done $0x0  }
0x3d: {  	s31 =	rddreg [dreg:$0xa];
	[sflag:s26] =	ssyncadd.s32 $0xFFFFE700  }
0x3e: {  	v0 =	vld [tilespmem:s31+$0x0]  }
0x3f: {  	s13 =	simm.s32 $0x0;
	v1 =	vld [tilespmem:s31+$0x10]  }
0x40: {  	v2 =	vld [tilespmem:s13+$0xA10]  }
0x41: {  	v3 =	vld [tilespmem:s13+$0xA00]  }
0x42: {  	s16 =	simm.s32 $0x80  }
.LBB2_4:
0x43: {  	p0 =	sne.s32 s16, $0x6380  }
.Ltmp1:
0x44: {  	_ = 	snop;
	(pc) =	sbr.rel @p0 .LBB2_4-.Ltmp1, $4  }
0x45: {  	s18 =	sshra.s32 s16, $0x2;
	v4 =	vadd.f32 v2, v1  }
0x46: {  	v2 =	vld [tilespmem:s18+$0xA10];
	v5 =	vadd.f32 v3, v0  }
0x47: {  	v3 =	vld [tilespmem:s18+$0xA00];
	[tilespmem:s13+$0x2310] =	vst v4  }
0x48: {  	s16 =	sadd.s32 $0x80, s16;
	[tilespmem:s13+$0x2300] =	vst v5;
	s13 =	smov.u32 s18  }
0x49: {  	_ =	sdelay $0x1  }
0x4a: {  	v1 =	vadd.f32 v2, v1  }
0x4b: {  	v0 =	vadd.f32 v3, v0  }
0x4c: {  	[tilespmem:s13+$0x2310] =	vst v1  }
0x4d: {  	[tilespmem:s13+$0x2300] =	vst v0  }
0x4e: {  	s13 =	rddreg [dreg:$0xb]  }
0x4f: {  	[spmem:s13] =	stream.linear.scatter [tilespmem:s19], [sflag:$0x5], $0x1900, $0x38;
	[tilespmem:$0x1F000] =	vst v63  }
0x50: {  	_ =	swait.ge [sflag:s26], $0x1900  }
0x51: {  	[sflag:s26] =	ssyncset.done $0x0  }
0x52: {  	s31 =	rddreg [dreg:$0xc];
	[sflag:s26] =	ssyncadd.s32 $0xFFFFE700  }
0x53: {  	v0 =	vld [tilespmem:s31+$0x0]  }
0x54: {  	s13 =	simm.s32 $0x0;
	v1 =	vld [tilespmem:s31+$0x10]  }
0x55: {  	v2 =	vld [tilespmem:s13+$0xA10]  }
0x56: {  	v3 =	vld [tilespmem:s13+$0xA00]  }
0x57: {  	s16 =	simm.s32 $0x80  }
.LBB2_6:
0x58: {  	p0 =	sne.s32 s16, $0x6380  }
.Ltmp2:
0x59: {  	_ = 	snop;
	(pc) =	sbr.rel @p0 .LBB2_6-.Ltmp2, $4  }
0x5a: {  	s18 =	sshra.s32 s16, $0x2;
	v4 =	vadd.f32 v2, v1  }
0x5b: {  	v2 =	vld [tilespmem:s18+$0xA10];
	v5 =	vadd.f32 v3, v0  }
0x5c: {  	v3 =	vld [tilespmem:s18+$0xA00];
	[tilespmem:s13+$0x2310] =	vst v4  }
0x5d: {  	s16 =	sadd.s32 $0x80, s16;
	[tilespmem:s13+$0x2300] =	vst v5;
	s13 =	smov.u32 s18  }
0x5e: {  	_ =	sdelay $0x1  }
0x5f: {  	v1 =	vadd.f32 v2, v1  }
0x60: {  	v0 =	vadd.f32 v3, v0  }
0x61: {  	[tilespmem:s13+$0x2310] =	vst v1  }
0x62: {  	[tilespmem:s13+$0x2300] =	vst v0  }
0x63: {  	s13 =	rddreg [dreg:$0xd]  }
0x64: {  	[spmem:s13] =	stream.linear.scatter [tilespmem:s19], [sflag:$0x5], $0x1900, $0x38;
	[tilespmem:$0x1F000] =	vst v63  }
0x65: {  	_ =	swait.ge [sflag:s26], $0x1900  }
0x66: {  	[sflag:s26] =	ssyncset.done $0x0  }
0x67: {  	s31 =	rddreg [dreg:$0xe];
	[sflag:s26] =	ssyncadd.s32 $0xFFFFE700  }
0x68: {  	v0 =	vld [tilespmem:s31+$0x0]  }
0x69: {  	s13 =	simm.s32 $0x0;
	v1 =	vld [tilespmem:s31+$0x10]  }
0x6a: {  	v2 =	vld [tilespmem:s13+$0xA10]  }
0x6b: {  	v3 =	vld [tilespmem:s13+$0xA00]  }
0x6c: {  	s16 =	simm.s32 $0x80  }
.LBB2_8:
0x6d: {  	p0 =	sne.s32 s16, $0x6380  }
.Ltmp3:
0x6e: {  	_ = 	snop;
	(pc) =	sbr.rel @p0 .LBB2_8-.Ltmp3, $4  }
0x6f: {  	s18 =	sshra.s32 s16, $0x2;
	v4 =	vadd.f32 v2, v1  }
0x70: {  	v2 =	vld [tilespmem:s18+$0xA10];
	v5 =	vadd.f32 v3, v0  }
0x71: {  	v3 =	vld [tilespmem:s18+$0xA00];
	[tilespmem:s13+$0x2310] =	vst v4  }
0x72: {  	s16 =	sadd.s32 $0x80, s16;
	[tilespmem:s13+$0x2300] =	vst v5;
	s13 =	smov.u32 s18  }
0x73: {  	_ =	sdelay $0x1  }
0x74: {  	v1 =	vadd.f32 v2, v1  }
0x75: {  	v0 =	vadd.f32 v3, v0  }
0x76: {  	[tilespmem:s13+$0x2310] =	vst v1  }
0x77: {  	[tilespmem:s13+$0x2300] =	vst v0  }
0x78: {  	s13 =	rddreg [dreg:$0xf]  }
0x79: {  	[spmem:s13] =	stream.linear.scatter [tilespmem:s19], [sflag:$0x5], $0x1900, $0x38;
	[tilespmem:$0x1F000] =	vst v63  }
0x7a: {  	_ =	swait.ge [sflag:s26], $0x1900  }
0x7b: {  	[sflag:s26] =	ssyncset.done $0x0  }
0x7c: {  	s31 =	rddreg [dreg:$0x10];
	[sflag:s26] =	ssyncadd.s32 $0xFFFFE700  }
0x7d: {  	v0 =	vld [tilespmem:s31+$0x0]  }
0x7e: {  	s13 =	simm.s32 $0x0;
	v1 =	vld [tilespmem:s31+$0x10]  }
0x7f: {  	v2 =	vld [tilespmem:s13+$0xA10]  }
0x80: {  	v3 =	vld [tilespmem:s13+$0xA00]  }
0x81: {  	s16 =	simm.s32 $0x80  }
.LBB2_10:
0x82: {  	p0 =	sne.s32 s16, $0x6380  }
.Ltmp4:
0x83: {  	_ = 	snop;
	(pc) =	sbr.rel @p0 .LBB2_10-.Ltmp4, $4  }
0x84: {  	s18 =	sshra.s32 s16, $0x2;
	v4 =	vadd.f32 v2, v1  }
0x85: {  	v2 =	vld [tilespmem:s18+$0xA10];
	v5 =	vadd.f32 v3, v0  }
0x86: {  	v3 =	vld [tilespmem:s18+$0xA00];
	[tilespmem:s13+$0x2310] =	vst v4  }
0x87: {  	s16 =	sadd.s32 $0x80, s16;
	[tilespmem:s13+$0x2300] =	vst v5;
	s13 =	smov.u32 s18  }
0x88: {  	_ =	sdelay $0x1  }
0x89: {  	v1 =	vadd.f32 v2, v1  }
0x8a: {  	v0 =	vadd.f32 v3, v0  }
0x8b: {  	[tilespmem:s13+$0x2310] =	vst v1  }
0x8c: {  	[tilespmem:s13+$0x2300] =	vst v0  }
0x8d: {  	s13 =	rddreg [dreg:$0x11]  }
0x8e: {  	[spmem:s13] =	stream.linear.scatter [tilespmem:s19], [sflag:$0x5], $0x1900, $0x38;
	[tilespmem:$0x1F000] =	vst v63  }
0x8f: {  	_ =	swait.ge [sflag:s26], $0x1900  }
0x90: {  	[sflag:s26] =	ssyncset.done $0x0  }
0x91: {  	[sflag:s26] =	ssyncadd.s32 $0xFFFFE700  }
0x92: {  	[bflag:$0x0] =	sbarrier.arrive $0xFFFF  }
0x93: {  	s16 =	simm.s32 $0x0;
	s18 =	simm.s32 $0xA800;
	s25 =	rddreg [dreg:$0x12]  }
0x94: {  	[tilespmem:s18], [sflag:$0x5] =	stream.linear.gather [hbm4b:s25+s16], $0x200, $0x38;
	[tilespmem:$0x1F000] =	vst v63  }
0x95: {  	_ =	swait.ge [sflag:s26], $0x200  }
0x96: {  	[sflag:s26] =	ssyncset.done $0x0  }
0x97: {  	s30 =	simm.s32 $0xAC00;
	s29 =	rddreg [dreg:$0x13];
	[sflag:s26] =	ssyncadd.s32 $0xFFFFFE00  }
0x98: {  	[tilespmem:s30], [sflag:$0x5] =	stream.linear.gather [hbm4b:s29+s16], $0x200, $0x38;
	[tilespmem:$0x1F000] =	vst v63  }
0x99: {  	_ =	swait.ge [sflag:s26], $0x200  }
0x9a: {  	[sflag:s26] =	ssyncset.done $0x0  }
0x9b: {  	s31 =	simm.s32 $0xB000;
	[sflag:s26] =	ssyncadd.s32 $0xFFFFFE00  }
0x9c: {  	[tilespmem:s31], [sflag:$0x1] =	stream.indirect.gather [hbm4b:s7+s0], $0x20, s18, s0, $0xb8;
	[tilespmem:$0x1F000] =	vst v63  }
0x9d: {  	s21 =	simm.s32 $0xC000;
	s19 =	simm.s32 $0xA880  }
0x9e: {  	[tilespmem:s21], [sflag:$0x1] =	stream.indirect.gather [hbm4b:s7+s0], $0x20, s19, s0, $0xb8;
	[tilespmem:$0x1F000] =	vst v63  }
0x9f: {  	s25 =	simm.s32 $0xA900;
	s29 =	simm.s32 $0xD000  }
0xa0: {  	[tilespmem:s29], [sflag:$0x1] =	stream.indirect.gather [hbm4b:s7+s0], $0x20, s25, s0, $0xb8;
	[tilespmem:$0x1F000] =	vst v63  }
0xa1: {  	s30 =	simm.s32 $0xA980;
	s31 =	simm.s32 $0xE000  }
0xa2: {  	[tilespmem:s31], [sflag:$0x1] =	stream.indirect.gather [hbm4b:s7+s0], $0x20, s30, s0, $0xb8;
	[tilespmem:$0x1F000] =	vst v63  }
.LBB2_12:
0xa3: {  	s30 =	sshll.u32 s16, $0x3  }
0xa4: {  	p0 =	seq.s32 s16, $0x0;
	s13 =	sadd.s32 s30, s9  }
0xa5: {  	s19 =	simm.s32 @!p0 $0x4;
	s18 =	sadd.s32 $0x4, s13  }
0xa6: {  	_ =	swait.ge @!p0 [sflag:s19], $0x4000;
	s13 =	sshll.u32 s18, $0x4  }
0xa7: {  	[sflag:s19] =	ssyncset.done @!p0 $0x0;
	s13 =	sand.u32 $0x1FFFFFC0, s13  }
0xa8: {  	[sflag:s19] =	ssyncadd.s32 @!p0 $0xFFFFC000;
	s25 =	sadd.s32 s1, s13  }
0xa9: {  	[tilespmem:s28], [sflag:$0x5] =	stream.linear.gather [hbm4b:s25+s6], $0x200, $0x38;
	[tilespmem:$0x1F000] =	vst v63  }
0xaa: {  	_ =	swait.ge [sflag:s26], $0x200  }
0xab: {  	[sflag:s26] =	ssyncset.done $0x0  }
0xac: {  	s13 =	sadd.s32 s2, s13;
	[sflag:s26] =	ssyncadd.s32 $0xFFFFFE00  }
0xad: {  	[tilespmem:s4], [sflag:$0x5] =	stream.linear.gather [hbm4b:s13+s6], $0x200, $0x38;
	[tilespmem:$0x1F000] =	vst v63  }
0xae: {  	_ =	swait.ge [sflag:s26], $0x200  }
0xaf: {  	[sflag:s26] =	ssyncset.done $0x0  }
0xb0: {  	s19 =	simm.s32 $0xF000;
	[sflag:s26] =	ssyncadd.s32 $0xFFFFFE00  }
0xb1: {  	[tilespmem:s19], [sflag:$0x2] =	stream.indirect.gather [hbm4b:s7+s0], $0x20, s28, s0, $0xb8;
	[tilespmem:$0x1F000] =	vst v63  }
0xb2: {  	s21 =	simm.s32 $0xAA80;
	s25 =	simm.s32 $0x10000  }
0xb3: {  	[tilespmem:s25], [sflag:$0x2] =	stream.indirect.gather [hbm4b:s7+s0], $0x20, s21, s0, $0xb8;
	[tilespmem:$0x1F000] =	vst v63  }
0xb4: {  	s21 =	simm.s32 $0xAB00;
	s25 =	simm.s32 $0x11000  }
0xb5: {  	[tilespmem:s25], [sflag:$0x2] =	stream.indirect.gather [hbm4b:s7+s0], $0x20, s21, s0, $0xb8;
	[tilespmem:$0x1F000] =	vst v63  }
0xb6: {  	s21 =	simm.s32 $0xAB80;
	s25 =	simm.s32 $0x12000  }
0xb7: {  	[tilespmem:s25], [sflag:$0x2] =	stream.indirect.gather [hbm4b:s7+s0], $0x20, s21, s0, $0xb8;
	[tilespmem:$0x1F000] =	vst v63  }
0xb8: {  	s21 =	simm.s32 $0xAC00  }
0xb9: {  	[tilespmem:s20], [sflag:$0x5] =	stream.indirect.gather [spmem:s5], $0x20, s21, s0, $0xb8;
	[tilespmem:$0x1F000] =	vst v63  }
0xba: {  	_ =	swait.ge [sflag:s26], $0x1000  }
0xbb: {  	[sflag:s26] =	ssyncset.done $0x0  }
0xbc: {  	s25 =	simm.s32 $0xAC80;
	[sflag:s26] =	ssyncadd.s32 $0xFFFFF000  }
0xbd: {  	[tilespmem:s22], [sflag:$0x5] =	stream.indirect.gather [spmem:s5], $0x20, s25, s0, $0xb8;
	[tilespmem:$0x1F000] =	vst v63  }
0xbe: {  	_ =	swait.ge [sflag:s26], $0x1000  }
0xbf: {  	[sflag:s26] =	ssyncset.done $0x0  }
0xc0: {  	s19 =	simm.s32 $0xAD00;
	[sflag:s26] =	ssyncadd.s32 $0xFFFFF000  }
0xc1: {  	[tilespmem:s11], [sflag:$0x5] =	stream.indirect.gather [spmem:s5], $0x20, s19, s0, $0xb8;
	[tilespmem:$0x1F000] =	vst v63  }
0xc2: {  	_ =	swait.ge [sflag:s26], $0x1000  }
0xc3: {  	[sflag:s26] =	ssyncset.done $0x0  }
0xc4: {  	s21 =	simm.s32 $0xAD80;
	[sflag:s26] =	ssyncadd.s32 $0xFFFFF000  }
0xc5: {  	[tilespmem:s15], [sflag:$0x5] =	stream.indirect.gather [spmem:s5], $0x20, s21, s0, $0xb8;
	[tilespmem:$0x1F000] =	vst v63  }
0xc6: {  	_ =	swait.ge [sflag:s26], $0x1000  }
0xc7: {  	[sflag:s26] =	ssyncset.done $0x0  }
0xc8: {  	[sflag:s26] =	ssyncadd.s32 $0xFFFFF000  }
0xc9: {  	_ =	swait.ge [sflag:s17], $0x1000  }
0xca: {  	[sflag:s17] =	ssyncset.done $0x0  }
0xcb: {  	[sflag:s17] =	ssyncadd.s32 $0xFFFFF000  }
0xcc: {  	_ =	swait.ge [sflag:s17], $0x1000  }
0xcd: {  	[sflag:s17] =	ssyncset.done $0x0  }
0xce: {  	[sflag:s17] =	ssyncadd.s32 $0xFFFFF000  }
0xcf: {  	_ =	swait.ge [sflag:s17], $0x1000  }
0xd0: {  	[sflag:s17] =	ssyncset.done $0x0  }
0xd1: {  	[sflag:s17] =	ssyncadd.s32 $0xFFFFF000  }
0xd2: {  	_ =	swait.ge [sflag:s17], $0x1000  }
0xd3: {  	[sflag:s17] =	ssyncset.done $0x0  }
0xd4: {  	s25 =	simm.s32 $0xB040;
	[sflag:s17] =	ssyncadd.s32 $0xFFFFF000  }
0xd5: {  	s19 =	simm.s32 $0x13040;
	v0 =	vld [tilespmem:s25+$0x20]  }
0xd6: {  	v1 =	vld [tilespmem:s19+$0x20]  }
0xd7: {  	v2 =	vld [tilespmem:s19+$0xFFFFFFC0]  }
0xd8: {  	v3 =	vld [tilespmem:s25+$0xFFFFFFE0]  }
0xd9: {  	v4 =	vld [tilespmem:s19+$0xFFFFFFE0]  }
0xda: {  	v5 =	vld [tilespmem:s25+$0x0]  }
0xdb: {  	v6 =	vld [tilespmem:s19+$0x0]  }
0xdc: {  	v0 =	vadd.f32 v1, v0;
	v1 =	vld [tilespmem:s25+$0xFFFFFFC0]  }
0xdd: {  	s29 =	simm.s32 $0xB0C0;
	s21 =	simm.s32 $0x17040  }
0xde: {  	v9 =	vld [tilespmem:s29+$0xFFFFFFE0];
	[tilespmem:s21+$0x20] =	vst v0;
	v0 =	vadd.f32 v4, v3  }
0xdf: {  	v11 =	vld [tilespmem:s29+$0x0]  }
0xe0: {  	v3 =	vld [tilespmem:s25+$0x30];
	[tilespmem:s21+$0xFFFFFFE0] =	vst v0;
	v0 =	vadd.f32 v6, v5  }
0xe1: {  	v6 =	vld [tilespmem:s29+$0x20];
	v1 =	vadd.f32 v2, v1  }
0xe2: {  	v2 =	vld [tilespmem:s25+$0xFFFFFFF0];
	[tilespmem:s21+$0x0] =	vst v0  }
0xe3: {  	[tilespmem:s21+$0xFFFFFFC0] =	vst v1;
	v0 =	vld [tilespmem:s25+$0x10]  }
0xe4: {  	v1 =	vld [tilespmem:s25+$0xFFFFFFD0];
	s25 =	simm.s32 $0x130C0  }
0xe5: {  	v7 =	vld [tilespmem:s25+$0x20]  }
0xe6: {  	v4 =	vld [tilespmem:s19+$0x30]  }
0xe7: {  	v5 =	vld [tilespmem:s19+$0xFFFFFFF0]  }
0xe8: {  	v10 =	vld [tilespmem:s25+$0xFFFFFFE0]  }
0xe9: {  	v8 =	vld [tilespmem:s25+$0xFFFFFFC0]  }
0xea: {  	v12 =	vld [tilespmem:s25+$0x0];
	v6 =	vadd.f32 v7, v6  }
0xeb: {  	s31 =	simm.s32 $0x170C0;
	v7 =	vld [tilespmem:s29+$0xFFFFFFC0]  }
0xec: {  	v3 =	vadd.f32 v4, v3;
	[tilespmem:s31+$0x20] =	vst v6;
	v6 =	vld [tilespmem:s19+$0xFFFFFFD0]  }
0xed: {  	v4 =	vadd.f32 v10, v9;
	v62 =	vld [tilespmem:s29+$0x30]  }
0xee: {  	[tilespmem:s21+$0x30] =	vst v3;
	v2 =	vadd.f32 v5, v2;
	v63 =	vld [tilespmem:s25+$0x30]  }
0xef: {  	v3 =	vadd.f32 v12, v11;
	[tilespmem:s31+$0xFFFFFFE0] =	vst v4;
	v4 =	vld [tilespmem:s19+$0x10]  }
0xf0: {  	[tilespmem:s21+$0xFFFFFFF0] =	vst v2;
	v2 =	vld [tilespmem:s29+$0xFFFFFFF0];
	v7 =	vadd.f32 v8, v7  }
0xf1: {  	[tilespmem:s31+$0x0] =	vst v3;
	v5 =	vld [tilespmem:s25+$0xFFFFFFF0];
	v8 =	vadd.f32 v6, v1  }
0xf2: {  	v3 =	vld [tilespmem:s29+$0x10];
	[tilespmem:s31+$0xFFFFFFC0] =	vst v7  }
0xf3: {  	s13 =	simm.s32 $0x4;
	s19 =	simm.s32 $0xB140;
	v1 =	vld [tilespmem:s29+$0xFFFFFFD0];
	v6 =	vadd.f32 v63, v62;
	s29 =	simm.s32 $0x130C0;
	[tilespmem:s21+$0xFFFFFFD0] =	vst v8  }
.LBB2_13:
0xf4: {  	v7 =	vld [tilespmem:s19+$0x20];
	s25 =	sadd.s32 $0x80, s25;
	v8 =	vadd.f32 v4, v0  }
0xf5: {  	v4 =	vld [tilespmem:s25+$0x20];
	[tilespmem:s31+$0x30] =	vst v6  }
0xf6: {  	s13 =	sadd.s32 $0x4, s13;
	v6 =	vld [tilespmem:s25+$0xFFFFFFC0];
	v2 =	vadd.f32 v5, v2;
	[tilespmem:s21+$0x10] =	vst v8;
	s21 =	smov.u32 s31  }
0xf7: {  	p0 =	slt.u32 s13, $0x1FC;
	v5 =	vld [tilespmem:s19+$0xFFFFFFE0];
	v0 =	vmov v3  }
0xf8: {  	v3 =	vld [tilespmem:s25+$0xFFFFFFE0];
	[tilespmem:s31+$0xFFFFFFF0] =	vst v2  }
0xf9: {  	v2 =	vld [tilespmem:s19+$0x0]  }
0xfa: {  	v8 =	vld [tilespmem:s25+$0x0];
	v4 =	vadd.f32 v4, v7  }
0xfb: {  	s31 =	sadd.s32 $0x80, s31;
	v7 =	vld [tilespmem:s19+$0xFFFFFFC0]  }
0xfc: {  	[tilespmem:s31+$0x20] =	vst v4;
	v9 =	vld [tilespmem:s29+$0xFFFFFFD0]  }
0xfd: {  	v3 =	vadd.f32 v3, v5;
	v10 =	vld [tilespmem:s19+$0x30]  }
0xfe: {  	v11 =	vld [tilespmem:s25+$0x30]  }
.Ltmp5:
0xff: {  	[tilespmem:s31+$0xFFFFFFE0] =	vst v3;
	v3 =	vadd.f32 v8, v2;
	v4 =	vld [tilespmem:s29+$0x10];
	s29 =	smov.u32 s25;
	(pc) =	sbr.rel @p0 .LBB2_13-.Ltmp5, $4  }
0x100: {  	v6 =	vadd.f32 v6, v7;
	v2 =	vld [tilespmem:s19+$0xFFFFFFF0]  }
0x101: {  	v5 =	vld [tilespmem:s25+$0xFFFFFFF0];
	[tilespmem:s31+$0x0] =	vst v3;
	v7 =	vadd.f32 v9, v1  }
0x102: {  	[tilespmem:s31+$0xFFFFFFC0] =	vst v6;
	v3 =	vld [tilespmem:s19+$0x10]  }
0x103: {  	v1 =	vld [tilespmem:s19+$0xFFFFFFD0];
	v6 =	vadd.f32 v11, v10;
	s19 =	sadd.s32 $0x80, s19;
	[tilespmem:s21+$0xFFFFFFD0] =	vst v7  }
0x104: {  	v7 =	vld [tilespmem:s29+$0xFFFFFFD0]  }
0x105: {  	v8 =	vld [tilespmem:s29+$0x10];
	_ =	sdelay $0x1  }
0x106: {  	v0 =	vadd.f32 v4, v0  }
0x107: {  	[tilespmem:s31+$0x30] =	vst v6;
	v2 =	vadd.f32 v5, v2  }
0x108: {  	s13 =	sshll.u32 s16, $0xF;
	[tilespmem:s21+$0x10] =	vst v0;
	v0 =	vadd.f32 v7, v1  }
0x109: {  	s13 =	sadd.s32 s23, s13;
	[tilespmem:s31+$0xFFFFFFF0] =	vst v2;
	v1 =	vadd.f32 v8, v3  }
0x10a: {  	s13 =	sshrl.u32 s13, $0x3;
	[tilespmem:s31+$0xFFFFFFD0] =	vst v0  }
0x10b: {  	s19 =	simm.s32 $0x17000;
	p0 =	seq.s32 s16, $0x18;
	s13 =	sadd.s32 s3, s13;
	[tilespmem:s31+$0x10] =	vst v1  }
0x10c: {  	[hbm4b:s13+s6] =	stream.linear.scatter [tilespmem:s19], [sflag:$0x3], $0x4000, $0x38;
	[tilespmem:$0x1F000] =	vst v63  }
0x10d: {  	s13 =	simm.s32 @!p0 $0x3  }
0x10e: {  	s19 =	sadd.s32 @!p0 s30, s24;
	_ =	swait.ge @!p0 [sflag:s13], $0x4000  }
0x10f: {  	s19 =	sshll.u32 @!p0 s19, $0x4;
	[sflag:s13] =	ssyncset.done @!p0 $0x0  }
0x110: {  	[sflag:s13] =	ssyncadd.s32 @!p0 $0xFFFFC000;
	s13 =	sand.u32 @!p0 $0x1FFFFF80, s19  }
0x111: {  	s25 =	simm.s32 @!p0 $0xA800;
	s21 =	simm.s32 @!p0 $0x0;
	s19 =	sadd.s32 @!p0 s1, s13  }
0x112: {  	[tilespmem:s25], [sflag:$0x5] =	stream.linear.gather @!p0 [hbm4b:s19+s21], $0x200, $0x38;
	[tilespmem:$0x1F000] =	vst v63  }
0x113: {  	s19 =	simm.s32 @!p0 $0x5  }
0x114: {  	_ =	swait.ge @!p0 [sflag:s19], $0x200  }
0x115: {  	[sflag:s19] =	ssyncset.done @!p0 $0x0  }
0x116: {  	s29 =	simm.s32 @!p0 $0xAC00;
	s13 =	sadd.s32 @!p0 s2, s13;
	[sflag:s19] =	ssyncadd.s32 @!p0 $0xFFFFFE00  }
0x117: {  	[tilespmem:s29], [sflag:$0x5] =	stream.linear.gather @!p0 [hbm4b:s13+s21], $0x200, $0x38;
	[tilespmem:$0x1F000] =	vst v63  }
0x118: {  	_ =	swait.ge @!p0 [sflag:s19], $0x200  }
0x119: {  	[sflag:s19] =	ssyncset.done @!p0 $0x0  }
0x11a: {  	s13 =	simm.s32 @!p0 $0x80;
	[sflag:s19] =	ssyncadd.s32 @!p0 $0xFFFFFE00;
	s19 =	simm.s32 @!p0 $0xB000  }
0x11b: {  	[tilespmem:s19], [sflag:$0x1] =	stream.indirect.gather @!p0 [hbm4b:s7+s13], $0x20, s25, s13, $0xb8;
	[tilespmem:$0x1F000] =	vst v63  }
0x11c: {  	s21 =	simm.s32 @!p0 $0xC000;
	s19 =	simm.s32 @!p0 $0xA880  }
0x11d: {  	[tilespmem:s21], [sflag:$0x1] =	stream.indirect.gather @!p0 [hbm4b:s7+s13], $0x20, s19, s13, $0xb8;
	[tilespmem:$0x1F000] =	vst v63  }
0x11e: {  	s19 =	simm.s32 @!p0 $0xA900;
	s21 =	simm.s32 @!p0 $0xD000  }
0x11f: {  	[tilespmem:s21], [sflag:$0x1] =	stream.indirect.gather @!p0 [hbm4b:s7+s13], $0x20, s19, s13, $0xb8;
	[tilespmem:$0x1F000] =	vst v63  }
0x120: {  	s19 =	simm.s32 @!p0 $0xA980;
	s21 =	simm.s32 @!p0 $0xE000  }
0x121: {  	[tilespmem:s21], [sflag:$0x1] =	stream.indirect.gather @!p0 [hbm4b:s7+s13], $0x20, s19, s13, $0xb8;
	[tilespmem:$0x1F000] =	vst v63  }
0x122: {  	_ = 	snop  }
0x123: {  	[tilespmem:s20], [sflag:$0x5] =	stream.indirect.gather [spmem:s5], $0x20, s4, s0, $0xb8;
	[tilespmem:$0x1F000] =	vst v63  }
0x124: {  	_ =	swait.ge [sflag:s26], $0x1000  }
0x125: {  	[sflag:s26] =	ssyncset.done $0x0  }
0x126: {  	s21 =	simm.s32 $0xAE80;
	[sflag:s26] =	ssyncadd.s32 $0xFFFFF000  }
0x127: {  	[tilespmem:s22], [sflag:$0x5] =	stream.indirect.gather [spmem:s5], $0x20, s21, s0, $0xb8;
	[tilespmem:$0x1F000] =	vst v63  }
0x128: {  	_ =	swait.ge [sflag:s26], $0x1000  }
0x129: {  	[sflag:s26] =	ssyncset.done $0x0  }
0x12a: {  	[sflag:s26] =	ssyncadd.s32 $0xFFFFF000  }
0x12b: {  	[tilespmem:s11], [sflag:$0x5] =	stream.indirect.gather [spmem:s5], $0x20, s8, s0, $0xb8;
	[tilespmem:$0x1F000] =	vst v63  }
0x12c: {  	_ =	swait.ge [sflag:s26], $0x1000  }
0x12d: {  	[sflag:s26] =	ssyncset.done $0x0  }
0x12e: {  	[sflag:s26] =	ssyncadd.s32 $0xFFFFF000  }
0x12f: {  	[tilespmem:s15], [sflag:$0x5] =	stream.indirect.gather [spmem:s5], $0x20, s10, s0, $0xb8;
	[tilespmem:$0x1F000] =	vst v63  }
0x130: {  	_ =	swait.ge [sflag:s26], $0x1000  }
0x131: {  	[sflag:s26] =	ssyncset.done $0x0  }
0x132: {  	[sflag:s26] =	ssyncadd.s32 $0xFFFFF000  }
0x133: {  	_ =	swait.ge [sflag:s12], $0x1000  }
0x134: {  	[sflag:s12] =	ssyncset.done $0x0  }
0x135: {  	[sflag:s12] =	ssyncadd.s32 $0xFFFFF000  }
0x136: {  	_ =	swait.ge [sflag:s12], $0x1000  }
0x137: {  	[sflag:s12] =	ssyncset.done $0x0  }
0x138: {  	[sflag:s12] =	ssyncadd.s32 $0xFFFFF000  }
0x139: {  	_ =	swait.ge [sflag:s12], $0x1000  }
0x13a: {  	[sflag:s12] =	ssyncset.done $0x0  }
0x13b: {  	[sflag:s12] =	ssyncadd.s32 $0xFFFFF000  }
0x13c: {  	_ =	swait.ge [sflag:s12], $0x1000  }
0x13d: {  	[sflag:s12] =	ssyncset.done $0x0  }
0x13e: {  	s25 =	simm.s32 $0xF040;
	[sflag:s12] =	ssyncadd.s32 $0xFFFFF000  }
0x13f: {  	s31 =	simm.s32 $0x13040;
	v0 =	vld [tilespmem:s25+$0x20]  }
0x140: {  	v1 =	vld [tilespmem:s31+$0x20]  }
0x141: {  	v2 =	vld [tilespmem:s31+$0xFFFFFFC0]  }
0x142: {  	v3 =	vld [tilespmem:s25+$0xFFFFFFE0]  }
0x143: {  	v4 =	vld [tilespmem:s31+$0xFFFFFFE0]  }
0x144: {  	v5 =	vld [tilespmem:s25+$0x0]  }
0x145: {  	v6 =	vld [tilespmem:s31+$0x0]  }
0x146: {  	v0 =	vadd.f32 v1, v0;
	v1 =	vld [tilespmem:s25+$0xFFFFFFC0]  }
0x147: {  	s29 =	simm.s32 $0xF0C0;
	s21 =	simm.s32 $0x1B040  }
0x148: {  	v9 =	vld [tilespmem:s29+$0xFFFFFFE0];
	[tilespmem:s21+$0x20] =	vst v0;
	v0 =	vadd.f32 v4, v3  }
0x149: {  	v11 =	vld [tilespmem:s29+$0x0]  }
0x14a: {  	v3 =	vld [tilespmem:s25+$0x30];
	[tilespmem:s21+$0xFFFFFFE0] =	vst v0;
	v0 =	vadd.f32 v6, v5  }
0x14b: {  	v6 =	vld [tilespmem:s29+$0x20];
	v1 =	vadd.f32 v2, v1  }
0x14c: {  	v2 =	vld [tilespmem:s25+$0xFFFFFFF0];
	[tilespmem:s21+$0x0] =	vst v0  }
0x14d: {  	[tilespmem:s21+$0xFFFFFFC0] =	vst v1;
	v0 =	vld [tilespmem:s25+$0x10]  }
0x14e: {  	v1 =	vld [tilespmem:s25+$0xFFFFFFD0];
	s25 =	simm.s32 $0x130C0  }
0x14f: {  	v7 =	vld [tilespmem:s25+$0x20]  }
0x150: {  	v4 =	vld [tilespmem:s31+$0x30]  }
0x151: {  	v5 =	vld [tilespmem:s31+$0xFFFFFFF0]  }
0x152: {  	v10 =	vld [tilespmem:s25+$0xFFFFFFE0]  }
0x153: {  	v8 =	vld [tilespmem:s25+$0xFFFFFFC0]  }
0x154: {  	v12 =	vld [tilespmem:s25+$0x0];
	v6 =	vadd.f32 v7, v6  }
0x155: {  	s30 =	simm.s32 $0x1B0C0;
	v7 =	vld [tilespmem:s29+$0xFFFFFFC0]  }
0x156: {  	v3 =	vadd.f32 v4, v3;
	v4 =	vld [tilespmem:s31+$0xFFFFFFD0];
	[tilespmem:s30+$0x20] =	vst v6  }
0x157: {  	v6 =	vadd.f32 v10, v9;
	v62 =	vld [tilespmem:s29+$0x30]  }
0x158: {  	[tilespmem:s21+$0x30] =	vst v3;
	v2 =	vadd.f32 v5, v2;
	v63 =	vld [tilespmem:s25+$0x30]  }
0x159: {  	v3 =	vld [tilespmem:s31+$0x10];
	[tilespmem:s30+$0xFFFFFFE0] =	vst v6;
	v6 =	vadd.f32 v12, v11  }
0x15a: {  	[tilespmem:s21+$0xFFFFFFF0] =	vst v2;
	v7 =	vadd.f32 v8, v7;
	v2 =	vld [tilespmem:s29+$0xFFFFFFF0]  }
0x15b: {  	v5 =	vld [tilespmem:s25+$0xFFFFFFF0];
	v8 =	vadd.f32 v4, v1;
	[tilespmem:s30+$0x0] =	vst v6  }
0x15c: {  	[tilespmem:s30+$0xFFFFFFC0] =	vst v7;
	v4 =	vld [tilespmem:s29+$0x10]  }
0x15d: {  	s13 =	simm.s32 $0x4;
	s19 =	simm.s32 $0xF140;
	[tilespmem:s21+$0xFFFFFFD0] =	vst v8;
	v1 =	vld [tilespmem:s29+$0xFFFFFFD0];
	v6 =	vadd.f32 v63, v62;
	s29 =	simm.s32 $0x130C0  }
.LBB2_15:
0x15e: {  	v7 =	vld [tilespmem:s19+$0x20];
	s25 =	sadd.s32 $0x80, s25;
	v8 =	vadd.f32 v3, v0  }
0x15f: {  	v3 =	vld [tilespmem:s25+$0x20];
	[tilespmem:s30+$0x30] =	vst v6  }
0x160: {  	s13 =	sadd.s32 $0x4, s13;
	v6 =	vld [tilespmem:s25+$0xFFFFFFC0];
	v2 =	vadd.f32 v5, v2;
	[tilespmem:s21+$0x10] =	vst v8;
	s21 =	smov.u32 s30  }
0x161: {  	p0 =	slt.u32 s13, $0x1FC;
	v5 =	vld [tilespmem:s19+$0xFFFFFFE0];
	v0 =	vmov v4  }
0x162: {  	v4 =	vld [tilespmem:s25+$0xFFFFFFE0];
	[tilespmem:s30+$0xFFFFFFF0] =	vst v2  }
0x163: {  	v2 =	vld [tilespmem:s19+$0x0]  }
0x164: {  	v8 =	vld [tilespmem:s25+$0x0];
	v3 =	vadd.f32 v3, v7  }
0x165: {  	s30 =	sadd.s32 $0x80, s30;
	v7 =	vld [tilespmem:s19+$0xFFFFFFC0]  }
0x166: {  	[tilespmem:s30+$0x20] =	vst v3;
	v9 =	vld [tilespmem:s29+$0xFFFFFFD0]  }
0x167: {  	v3 =	vadd.f32 v4, v5;
	v10 =	vld [tilespmem:s19+$0x30]  }
0x168: {  	v11 =	vld [tilespmem:s25+$0x30]  }
.Ltmp6:
0x169: {  	[tilespmem:s30+$0xFFFFFFE0] =	vst v3;
	v4 =	vadd.f32 v8, v2;
	v3 =	vld [tilespmem:s29+$0x10];
	s29 =	smov.u32 s25;
	(pc) =	sbr.rel @p0 .LBB2_15-.Ltmp6, $4  }
0x16a: {  	v6 =	vadd.f32 v6, v7;
	v2 =	vld [tilespmem:s19+$0xFFFFFFF0]  }
0x16b: {  	v5 =	vld [tilespmem:s25+$0xFFFFFFF0];
	[tilespmem:s30+$0x0] =	vst v4;
	v7 =	vadd.f32 v9, v1  }
0x16c: {  	[tilespmem:s30+$0xFFFFFFC0] =	vst v6;
	v4 =	vld [tilespmem:s19+$0x10]  }
0x16d: {  	v1 =	vld [tilespmem:s19+$0xFFFFFFD0];
	v6 =	vadd.f32 v11, v10;
	s19 =	sadd.s32 $0x80, s19;
	[tilespmem:s21+$0xFFFFFFD0] =	vst v7  }
0x16e: {  	v7 =	vld [tilespmem:s29+$0xFFFFFFD0]  }
0x16f: {  	v8 =	vld [tilespmem:s29+$0x10];
	_ =	sdelay $0x1  }
0x170: {  	v0 =	vadd.f32 v3, v0;
	s16 =	sadd.s32 $0x1, s16  }
0x171: {  	[tilespmem:s30+$0x30] =	vst v6;
	p0 =	sne.s32 s16, $0x19;
	v2 =	vadd.f32 v5, v2  }
.Ltmp7:
0x172: {  	[tilespmem:s21+$0x10] =	vst v0;
	v62 =	vadd.f32 v7, v1;
	(pc) =	sbr.rel @p0 .LBB2_12-.Ltmp7, $4  }
0x173: {  	s13 =	sshll.u32 s18, $0x9;
	[tilespmem:s30+$0xFFFFFFF0] =	vst v2;
	v63 =	vadd.f32 v8, v4  }
0x174: {  	s13 =	sand.u32 $0x1FFFF800, s13;
	[tilespmem:s30+$0xFFFFFFD0] =	vst v62  }
0x175: {  	s13 =	sadd.s32 s3, s13;
	[tilespmem:s30+$0x10] =	vst v63  }
0x176: {  	[hbm4b:s13+s6] =	stream.linear.scatter [tilespmem:s14], [sflag:$0x4], $0x4000, $0x38;
	[tilespmem:$0x1F000] =	vst v63  }
0x177: {  	s13 =	simm.s32 $0x3  }
0x178: {  	_ =	swait.ge [sflag:s13], $0x4000  }
0x179: {  	[sflag:s13] =	ssyncset.done $0x0  }
0x17a: {  	s16 =	simm.s32 $0x4;
	[sflag:s13] =	ssyncadd.s32 $0xFFFFC000  }
0x17b: {  	_ =	swait.ge [sflag:s16], $0x4000  }
0x17c: {  	s18 =	rddreg [dreg:$0x15]  }
0x17d: {  	s31 =	rddreg [dreg:$0x14];
	s18 =	sadd.s32 $0x1, s18  }
0x17e: {  	p0 =	sne.s32 s18, s31  }
.Ltmp8:
0x17f: {  	_ = 	snop;
	(pc) =	sbr.rel @p0 .LBB2_1-.Ltmp8, $3  }
0x180: {  	_ =	sdelay $0x1  }
0x181: {  	[sflag:s16] =	ssyncset.done $0x0  }
0x182: {  	s19 =	simm.s32 $0x2300;
	[sflag:s16] =	ssyncadd.s32 $0xFFFFC000  }
0x183: {  	_ =	sfence.sel $0x180000  }
0x184: {  	[bflag:$0x0] =	sbarrier.arrive $0xFFFF  }
0x185: {  	_ =	strace $0x90000047  }
0x186: {  	s0 =	stileid.u32;
	[bflag:$0x2] =	sbarrier.arrive $0xFFFF  }
0x187: {  	p0 =	sne.s32 s0, $0x0;
	s0 =	rddreg [dreg:$0x5]  }
0x188: {  	s0 =	sadd.s32 @!p0 $0x100000, s0  }
0x189: {  	[sflag:s0] =	ssyncadd.tile.s32 @!p0 $0x1;
	_ =	shalt  }
.Lfunc_end2:
_tile_overlayer_lowered:
.L_overlay_start_2:
0x18a: {  	(tag) =	ssettag $0x2  }
0x18b: {  	s0 =	rddreg [dreg:$0x0];
	s2 =	stileid.u32  }
0x18c: {  	s1 =	rddreg [dreg:$0x1];
	p0 =	sne.s32 s2, $0x0  }
0x18d: {  	s3 =	rddreg [dreg:$0x2];
	[bflag:$0x3] =	sbarrier.arrive $0xFFFF;
	s2 =	simm.s32 @!p0 $0x1C05  }
0x18e: {  	[timem:s3], [sflag:s2] =	dma.local @!p0 [hbm:s0], s1  }
0x18f: {  	s0 =	simm.s32 @!p0 $0x5  }
0x190: {  	_ =	swait.ge @!p0 [sflag:s0], s1  }
0x191: {  	s1 =	ssub.s32 @!p0 $0x0, s1;
	[sflag:s0] =	ssyncset.done @!p0 $0x0  }
0x192: {  	[sflag:s0] =	ssyncadd.s32 @!p0 s1  }
0x193: {  	[bflag:$0x3] =	sbarrier.arrive $0xFFFF  }
0x194: {  	_ =	shalt  }

</sc_bundles>
